<compile_context>
chip_gen: v7x
topology: tpu7x:2x2x1
jax: 0.10.2.dev20260603
libtpu: 0.0.44.dev20260713+nightly
codegen_flags: <defaults>
</compile_context>

<pallas_src>
import functools

import jax
import jax.numpy as jnp
from jax import lax
from jax.experimental import pallas as pl
from jax.experimental.pallas import tpu as pltpu
from jax.experimental.pallas import tpu_sc as plsc

N_NODES = 10000
D = 128
N_EDGES = 320000

NC = 2
NS = 16
NW = NC * NS

CHUNK = 128
CH = -(-N_EDGES // (NW * CHUNK))
CH0 = 110
CH1 = 2 * CH - CH0
E_PAD = NW * CH * CHUNK
ROWS_PER_TILE = 640
N_PAD = NS * ROWS_PER_TILE
DUMMY_ROW = N_NODES

_MESH = plsc.VectorSubcoreMesh(core_axis_name="c", subcore_axis_name="s")


@functools.partial(
    pl.kernel,
    mesh=_MESH,
    out_type=jax.ShapeDtypeStruct((NC, N_PAD, D), jnp.float32),
    scratch_types=[
        pltpu.VMEM((CH0, CHUNK), jnp.int32),
        pltpu.VMEM((CH0, CHUNK), jnp.int32),
        pltpu.VMEM((CHUNK, D), jnp.float32),
        pltpu.VMEM_SHARED((N_PAD, D), jnp.float32),
        pltpu.SemaphoreType.DMA,
    ],
)
def _sc_segment_sum(x_hbm, srcA_hbm, dstA_hbm, srcB_hbm, dstB_hbm, out_hbm,
                    src_v, dst_v, rows_v, acc, sem):
    c = lax.axis_index("c")
    s = lax.axis_index("s")

    @pl.when(c == 0)
    def _stage_a():
        pltpu.sync_copy(srcA_hbm.at[s], src_v.at[pl.ds(0, CH0)])
        pltpu.sync_copy(dstA_hbm.at[s], dst_v.at[pl.ds(0, CH0)])

    @pl.when(c == 1)
    def _stage_b():
        pltpu.sync_copy(srcB_hbm.at[s], src_v.at[pl.ds(0, CH1)])
        pltpu.sync_copy(dstB_hbm.at[s], dst_v.at[pl.ds(0, CH1)])

    n_ch = jnp.where(c == 0, CH0, CH1)

    zvec = jnp.zeros((16,), jnp.float32)

    def _zero_row(r, carry):
        for cc in range(D // 16):
            rows_v[r, pl.ds(cc * 16, 16)] = zvec
        return carry

    lax.fori_loop(0, CHUNK, _zero_row, 0)
    row0 = s * ROWS_PER_TILE

    def _zero_body(k, carry):
        pltpu.sync_copy(rows_v, acc.at[pl.ds(row0 + k * CHUNK, CHUNK)])
        return carry

    lax.fori_loop(0, ROWS_PER_TILE // CHUNK, _zero_body, 0)
    plsc.subcore_barrier()

    def _edge_body(j, carry):
        pltpu.async_copy(x_hbm.at[src_v.at[j]], rows_v, sem).wait()
        pltpu.sync_copy(rows_v, acc.at[dst_v.at[j]], add=True)
        return carry

    lax.fori_loop(0, n_ch, _edge_body, 0)
    plsc.subcore_barrier()

    pltpu.sync_copy(acc.at[pl.ds(row0, ROWS_PER_TILE)],
                    out_hbm.at[c].at[pl.ds(row0, ROWS_PER_TILE)])


_RB = 2000


def _dense_body(relu, p_ref, x_ref, wrT_ref, wrootT_ref, b_ref, o_ref):
    agg = p_ref[0] + p_ref[1]
    y = jnp.dot(agg, wrT_ref[...], preferred_element_type=jnp.float32)
    y = y + jnp.dot(x_ref[...], wrootT_ref[...],
                    preferred_element_type=jnp.float32)
    y = y + b_ref[...]
    if relu:
        y = jnp.maximum(y, 0.0)
    o_ref[...] = y


def _dense(p, x, wrT, wrootT, b, relu):
    return pl.pallas_call(
        functools.partial(_dense_body, relu),
        grid=(N_NODES // _RB,),
        in_specs=[
            pl.BlockSpec((NC, _RB, D), lambda i: (0, i, 0)),
            pl.BlockSpec((_RB, D), lambda i: (i, 0)),
            pl.BlockSpec((D, D), lambda i: (0, 0)),
            pl.BlockSpec((D, D), lambda i: (0, 0)),
            pl.BlockSpec((1, D), lambda i: (0, 0)),
        ],
        out_specs=pl.BlockSpec((_RB, D), lambda i: (i, 0)),
        out_shape=jax.ShapeDtypeStruct((N_NODES, D), jnp.float32),
    )(p, x, wrT, wrootT, b)


def kernel(x, edge_index, W1_rel, b1_rel, W1_root, W2_rel, b2_rel, W2_root):
    ei = edge_index.astype(jnp.int32)
    pad = E_PAD - N_EDGES
    src = jnp.concatenate([ei[0], jnp.zeros((pad,), jnp.int32)])
    dst = jnp.concatenate([ei[1], jnp.full((pad,), DUMMY_ROW, jnp.int32)])
    cut = NS * CH0 * CHUNK
    srcA = src[:cut].reshape(NS, CH0, CHUNK)
    dstA = dst[:cut].reshape(NS, CH0, CHUNK)
    srcB = src[cut:].reshape(NS, CH1, CHUNK)
    dstB = dst[cut:].reshape(NS, CH1, CHUNK)

    p1 = _sc_segment_sum(x, srcA, dstA, srcB, dstB)
    h = _dense(p1, x, W1_rel.T, W1_root.T, b1_rel.reshape(1, D), True)
    p2 = _sc_segment_sum(h, srcA, dstA, srcB, dstB)
    return _dense(p2, h, W2_rel.T, W2_root.T, b2_rel.reshape(1, D), False)

# --- scband reference (transcript-rebuilt; emitter-appended) ---
"""Pipeline reference for scband-gcn-13134009991660 (READ-ONLY COPY).

The authoritative reference and input builder live on the scoring server;
editing this copy changes nothing except your own understanding.
"""

import jax, jax.numpy as jnp
import numpy as np

N_NODES = 10000
D = 128
N_EDGES = 320000


def setup_inputs(seed: int = 0) -> dict:
    key = jax.random.key(seed)
    k1, k2, k3, k4, k5, k6, k7, k8 = jax.random.split(key, 8)
    x = jax.random.normal(k1, (N_NODES, D), dtype=jnp.float32)
    edge_index = jax.random.randint(k2, (2, N_EDGES), 0, N_NODES, dtype=jnp.int64)
    s = 1.0 / np.sqrt(D)
    W1_rel = jax.random.uniform(k3, (D, D), dtype=jnp.float32, minval=-s, maxval=s)
    b1_rel = jax.random.uniform(k4, (D,), dtype=jnp.float32, minval=-s, maxval=s)
    W1_root = jax.random.uniform(k5, (D, D), dtype=jnp.float32, minval=-s, maxval=s)
    W2_rel = jax.random.uniform(k6, (D, D), dtype=jnp.float32, minval=-s, maxval=s)
    b2_rel = jax.random.uniform(k7, (D,), dtype=jnp.float32, minval=-s, maxval=s)
    W2_root = jax.random.uniform(k8, (D, D), dtype=jnp.float32, minval=-s, maxval=s)
    return {"x": x, "edge_index": edge_index, "W1_rel": W1_rel, "b1_rel": b1_rel,
            "W1_root": W1_root, "W2_rel": W2_rel, "b2_rel": b2_rel, "W2_root": W2_root}


def _graph_conv(x, edge_index, W_rel, b_rel, W_root):
    # torch_geometric GraphConv: out = lin_rel(sum_{j in N(i)} x_j) + lin_root(x_i)
    src = edge_index[0]
    dst = edge_index[1]
    msgs = jnp.take(x, src, axis=0)
    agg = jax.ops.segment_sum(msgs, dst, num_segments=N_NODES)
    return agg @ W_rel.T + b_rel + x @ W_root.T


def reference(x, edge_index, W1_rel, b1_rel, W1_root, W2_rel, b2_rel, W2_root):
    h = _graph_conv(x, edge_index, W1_rel, b1_rel, W1_root)
    h = jax.nn.relu(h)
    out = _graph_conv(h, edge_index, W2_rel, b2_rel, W2_root)
    return out

if __name__ == "__main__":
    import jax
    _d = setup_inputs()
    print(jax.jit(kernel)(*tuple(_d.values())))

</pallas_src>

<mosaic_0001>
#map = affine_map<(d0, d1) -> (0, 0)>
#map1 = affine_map<(d0, d1) -> (0, 0, 0)>
module attributes {stable_mosaic.version = 14 : i64} {
  func.func @_sc_segment_sum(%arg0: i32, %arg1: i32, %arg2: memref<10000x128xf32, #tpu.memory_space<hbm>>, %arg3: memref<16x110x128xi32, #tpu.memory_space<hbm>>, %arg4: memref<16x110x128xi32, #tpu.memory_space<hbm>>, %arg5: memref<16x48x128xi32, #tpu.memory_space<hbm>>, %arg6: memref<16x48x128xi32, #tpu.memory_space<hbm>>, %arg7: memref<2x10240x128xf32, #tpu.memory_space<hbm>>, %arg8: memref<110x128xi32, #tpu.memory_space<vmem>>, %arg9: memref<110x128xi32, #tpu.memory_space<vmem>>, %arg10: memref<128x128xf32, #tpu.memory_space<vmem>>, %arg11: memref<10240x128xf32, #tpu.memory_space<vmem_shared>>, %arg12: memref<!tpu.dma_semaphore, #tpu.memory_space<semaphore_mem>>) attributes {dimension_semantics = [#tpu.dimension_semantics<core_parallel>, #tpu.dimension_semantics<subcore_parallel>], iteration_bounds = array<i64: 2, 16>, scalar_prefetch = 0 : i64, scratch_operands = 5 : i64, tpu.core_type = #tpu.core_type<sc_vector_subcore>, window_params = [{transform_indices = #map}, {transform_indices = #map1}, {transform_indices = #map1}, {transform_indices = #map1}, {transform_indices = #map1}, {transform_indices = #map1}]} {
    %eq3A = arith.constant 0 : i32
    %eq3A_0 = arith.cmpi eq, %arg0, %eq3A : i32
    %convert_element_type3A = arith.extui %eq3A_0 : i1 to i32
    %cond3A = arith.constant 0 : i32
    %cond3A_1 = arith.cmpi ne, %convert_element_type3A, %cond3A : i32
    scf.if %cond3A_1 {
      "tpu.region"() ({
        %run_scoped3A = tpu.sem_alloc : memref<!tpu.dma_semaphore, #tpu.memory_space<semaphore_mem>>
        %dma_start3A = arith.constant 0 : i32
        %dma_start3A_33 = arith.constant 0 : i32
        %dma_start3A_34 = tpu.memref_slice %arg8[%dma_start3A, %dma_start3A_33] : memref<110x128xi32, #tpu.memory_space<vmem>> -> memref<110x128xi32, #tpu.memory_space<vmem>>
        %dma_start3A_35 = arith.constant 0 : i32
        %dma_start3A_36 = arith.constant 0 : i32
        %dma_start3A_37 = tpu.memref_slice %arg3[%arg1, %dma_start3A_35, %dma_start3A_36] : memref<16x110x128xi32, #tpu.memory_space<hbm>> -> memref<1x110x128xi32, #tpu.memory_space<hbm>>
        %dma_start3A_38 = tpu.memref_squeeze %dma_start3A_37 : memref<1x110x128xi32, #tpu.memory_space<hbm>> -> memref<110x128xi32, #tpu.memory_space<hbm>>
        %dma_start3A_39 = arith.constant 0 : i32
        %dma_start3A_40 = arith.constant 0 : i32
        %dma_start3A_41 = tpu.memref_slice %arg8[%dma_start3A_39, %dma_start3A_40] : memref<110x128xi32, #tpu.memory_space<vmem>> -> memref<110x128xi32, #tpu.memory_space<vmem>>
        %dma_start3A_42 = arith.constant 0 : i32
        %dma_start3A_43 = arith.constant 0 : i32
        %dma_start3A_44 = tpu.memref_slice %arg3[%arg1, %dma_start3A_42, %dma_start3A_43] : memref<16x110x128xi32, #tpu.memory_space<hbm>> -> memref<1x110x128xi32, #tpu.memory_space<hbm>>
        %dma_start3A_45 = tpu.memref_squeeze %dma_start3A_44 : memref<1x110x128xi32, #tpu.memory_space<hbm>> -> memref<110x128xi32, #tpu.memory_space<hbm>>
        tpu.enqueue_dma source(%dma_start3A_45 : memref<110x128xi32, #tpu.memory_space<hbm>>) target(%dma_start3A_41 : memref<110x128xi32, #tpu.memory_space<vmem>>) target_semaphore(%run_scoped3A : memref<!tpu.dma_semaphore, #tpu.memory_space<semaphore_mem>>)
        %dma_wait3A = arith.constant 0 : i32
        %dma_wait3A_46 = arith.constant 0 : i32
        %dma_wait3A_47 = tpu.memref_slice %arg8[%dma_wait3A, %dma_wait3A_46] : memref<110x128xi32, #tpu.memory_space<vmem>> -> memref<110x128xi32, #tpu.memory_space<vmem>>
        %dma_wait3A_48 = arith.constant 0 : i32
        %dma_wait3A_49 = arith.constant 0 : i32
        %dma_wait3A_50 = tpu.memref_slice %arg3[%arg1, %dma_wait3A_48, %dma_wait3A_49] : memref<16x110x128xi32, #tpu.memory_space<hbm>> -> memref<1x110x128xi32, #tpu.memory_space<hbm>>
        %dma_wait3A_51 = tpu.memref_squeeze %dma_wait3A_50 : memref<1x110x128xi32, #tpu.memory_space<hbm>> -> memref<110x128xi32, #tpu.memory_space<hbm>>
        %dma_wait3A_52 = arith.constant 0 : i32
        %dma_wait3A_53 = arith.constant 0 : i32
        %dma_wait3A_54 = tpu.memref_slice %arg8[%dma_wait3A_52, %dma_wait3A_53] : memref<110x128xi32, #tpu.memory_space<vmem>> -> memref<110x128xi32, #tpu.memory_space<vmem>>
        %dma_wait3A_55 = arith.constant 0 : i32
        %dma_wait3A_56 = arith.constant 0 : i32
        %dma_wait3A_57 = tpu.memref_slice %arg3[%arg1, %dma_wait3A_55, %dma_wait3A_56] : memref<16x110x128xi32, #tpu.memory_space<hbm>> -> memref<1x110x128xi32, #tpu.memory_space<hbm>>
        %dma_wait3A_58 = tpu.memref_squeeze %dma_wait3A_57 : memref<1x110x128xi32, #tpu.memory_space<hbm>> -> memref<110x128xi32, #tpu.memory_space<hbm>>
        tpu.wait_dma2 semaphore(%run_scoped3A : memref<!tpu.dma_semaphore, #tpu.memory_space<semaphore_mem>>) src(%dma_wait3A_58 : memref<110x128xi32, #tpu.memory_space<hbm>>) dst(%dma_wait3A_54 : memref<110x128xi32, #tpu.memory_space<vmem>>)
        tpu.yield
      }) : () -> ()
      "tpu.region"() ({
        %run_scoped3A = tpu.sem_alloc : memref<!tpu.dma_semaphore, #tpu.memory_space<semaphore_mem>>
        %dma_start3A = arith.constant 0 : i32
        %dma_start3A_33 = arith.constant 0 : i32
        %dma_start3A_34 = tpu.memref_slice %arg9[%dma_start3A, %dma_start3A_33] : memref<110x128xi32, #tpu.memory_space<vmem>> -> memref<110x128xi32, #tpu.memory_space<vmem>>
        %dma_start3A_35 = arith.constant 0 : i32
        %dma_start3A_36 = arith.constant 0 : i32
        %dma_start3A_37 = tpu.memref_slice %arg4[%arg1, %dma_start3A_35, %dma_start3A_36] : memref<16x110x128xi32, #tpu.memory_space<hbm>> -> memref<1x110x128xi32, #tpu.memory_space<hbm>>
        %dma_start3A_38 = tpu.memref_squeeze %dma_start3A_37 : memref<1x110x128xi32, #tpu.memory_space<hbm>> -> memref<110x128xi32, #tpu.memory_space<hbm>>
        %dma_start3A_39 = arith.constant 0 : i32
        %dma_start3A_40 = arith.constant 0 : i32
        %dma_start3A_41 = tpu.memref_slice %arg9[%dma_start3A_39, %dma_start3A_40] : memref<110x128xi32, #tpu.memory_space<vmem>> -> memref<110x128xi32, #tpu.memory_space<vmem>>
        %dma_start3A_42 = arith.constant 0 : i32
        %dma_start3A_43 = arith.constant 0 : i32
        %dma_start3A_44 = tpu.memref_slice %arg4[%arg1, %dma_start3A_42, %dma_start3A_43] : memref<16x110x128xi32, #tpu.memory_space<hbm>> -> memref<1x110x128xi32, #tpu.memory_space<hbm>>
        %dma_start3A_45 = tpu.memref_squeeze %dma_start3A_44 : memref<1x110x128xi32, #tpu.memory_space<hbm>> -> memref<110x128xi32, #tpu.memory_space<hbm>>
        tpu.enqueue_dma source(%dma_start3A_45 : memref<110x128xi32, #tpu.memory_space<hbm>>) target(%dma_start3A_41 : memref<110x128xi32, #tpu.memory_space<vmem>>) target_semaphore(%run_scoped3A : memref<!tpu.dma_semaphore, #tpu.memory_space<semaphore_mem>>)
        %dma_wait3A = arith.constant 0 : i32
        %dma_wait3A_46 = arith.constant 0 : i32
        %dma_wait3A_47 = tpu.memref_slice %arg9[%dma_wait3A, %dma_wait3A_46] : memref<110x128xi32, #tpu.memory_space<vmem>> -> memref<110x128xi32, #tpu.memory_space<vmem>>
        %dma_wait3A_48 = arith.constant 0 : i32
        %dma_wait3A_49 = arith.constant 0 : i32
        %dma_wait3A_50 = tpu.memref_slice %arg4[%arg1, %dma_wait3A_48, %dma_wait3A_49] : memref<16x110x128xi32, #tpu.memory_space<hbm>> -> memref<1x110x128xi32, #tpu.memory_space<hbm>>
        %dma_wait3A_51 = tpu.memref_squeeze %dma_wait3A_50 : memref<1x110x128xi32, #tpu.memory_space<hbm>> -> memref<110x128xi32, #tpu.memory_space<hbm>>
        %dma_wait3A_52 = arith.constant 0 : i32
        %dma_wait3A_53 = arith.constant 0 : i32
        %dma_wait3A_54 = tpu.memref_slice %arg9[%dma_wait3A_52, %dma_wait3A_53] : memref<110x128xi32, #tpu.memory_space<vmem>> -> memref<110x128xi32, #tpu.memory_space<vmem>>
        %dma_wait3A_55 = arith.constant 0 : i32
        %dma_wait3A_56 = arith.constant 0 : i32
        %dma_wait3A_57 = tpu.memref_slice %arg4[%arg1, %dma_wait3A_55, %dma_wait3A_56] : memref<16x110x128xi32, #tpu.memory_space<hbm>> -> memref<1x110x128xi32, #tpu.memory_space<hbm>>
        %dma_wait3A_58 = tpu.memref_squeeze %dma_wait3A_57 : memref<1x110x128xi32, #tpu.memory_space<hbm>> -> memref<110x128xi32, #tpu.memory_space<hbm>>
        tpu.wait_dma2 semaphore(%run_scoped3A : memref<!tpu.dma_semaphore, #tpu.memory_space<semaphore_mem>>) src(%dma_wait3A_58 : memref<110x128xi32, #tpu.memory_space<hbm>>) dst(%dma_wait3A_54 : memref<110x128xi32, #tpu.memory_space<vmem>>)
        tpu.yield
      }) : () -> ()
    } else {
    }
    %eq3A_2 = arith.constant 1 : i32
    %eq3A_3 = arith.cmpi eq, %arg0, %eq3A_2 : i32
    %convert_element_type3A_4 = arith.extui %eq3A_3 : i1 to i32
    %cond3A_5 = arith.constant 0 : i32
    %cond3A_6 = arith.cmpi ne, %convert_element_type3A_4, %cond3A_5 : i32
    scf.if %cond3A_6 {
      "tpu.region"() ({
        %run_scoped3A = tpu.sem_alloc : memref<!tpu.dma_semaphore, #tpu.memory_space<semaphore_mem>>
        %dma_start3A = arith.constant 0 : i32
        %dma_start3A_33 = arith.constant 0 : i32
        %dma_start3A_34 = tpu.memref_slice %arg8[%dma_start3A, %dma_start3A_33] : memref<110x128xi32, #tpu.memory_space<vmem>> -> memref<48x128xi32, #tpu.memory_space<vmem>>
        %dma_start3A_35 = arith.constant 0 : i32
        %dma_start3A_36 = arith.constant 0 : i32
        %dma_start3A_37 = tpu.memref_slice %arg5[%arg1, %dma_start3A_35, %dma_start3A_36] : memref<16x48x128xi32, #tpu.memory_space<hbm>> -> memref<1x48x128xi32, #tpu.memory_space<hbm>>
        %dma_start3A_38 = tpu.memref_squeeze %dma_start3A_37 : memref<1x48x128xi32, #tpu.memory_space<hbm>> -> memref<48x128xi32, #tpu.memory_space<hbm>>
        %dma_start3A_39 = arith.constant 0 : i32
        %dma_start3A_40 = arith.constant 0 : i32
        %dma_start3A_41 = tpu.memref_slice %arg8[%dma_start3A_39, %dma_start3A_40] : memref<110x128xi32, #tpu.memory_space<vmem>> -> memref<48x128xi32, #tpu.memory_space<vmem>>
        %dma_start3A_42 = arith.constant 0 : i32
        %dma_start3A_43 = arith.constant 0 : i32
        %dma_start3A_44 = tpu.memref_slice %arg5[%arg1, %dma_start3A_42, %dma_start3A_43] : memref<16x48x128xi32, #tpu.memory_space<hbm>> -> memref<1x48x128xi32, #tpu.memory_space<hbm>>
        %dma_start3A_45 = tpu.memref_squeeze %dma_start3A_44 : memref<1x48x128xi32, #tpu.memory_space<hbm>> -> memref<48x128xi32, #tpu.memory_space<hbm>>
        tpu.enqueue_dma source(%dma_start3A_45 : memref<48x128xi32, #tpu.memory_space<hbm>>) target(%dma_start3A_41 : memref<48x128xi32, #tpu.memory_space<vmem>>) target_semaphore(%run_scoped3A : memref<!tpu.dma_semaphore, #tpu.memory_space<semaphore_mem>>)
        %dma_wait3A = arith.constant 0 : i32
        %dma_wait3A_46 = arith.constant 0 : i32
        %dma_wait3A_47 = tpu.memref_slice %arg8[%dma_wait3A, %dma_wait3A_46] : memref<110x128xi32, #tpu.memory_space<vmem>> -> memref<48x128xi32, #tpu.memory_space<vmem>>
        %dma_wait3A_48 = arith.constant 0 : i32
        %dma_wait3A_49 = arith.constant 0 : i32
        %dma_wait3A_50 = tpu.memref_slice %arg5[%arg1, %dma_wait3A_48, %dma_wait3A_49] : memref<16x48x128xi32, #tpu.memory_space<hbm>> -> memref<1x48x128xi32, #tpu.memory_space<hbm>>
        %dma_wait3A_51 = tpu.memref_squeeze %dma_wait3A_50 : memref<1x48x128xi32, #tpu.memory_space<hbm>> -> memref<48x128xi32, #tpu.memory_space<hbm>>
        %dma_wait3A_52 = arith.constant 0 : i32
        %dma_wait3A_53 = arith.constant 0 : i32
        %dma_wait3A_54 = tpu.memref_slice %arg8[%dma_wait3A_52, %dma_wait3A_53] : memref<110x128xi32, #tpu.memory_space<vmem>> -> memref<48x128xi32, #tpu.memory_space<vmem>>
        %dma_wait3A_55 = arith.constant 0 : i32
        %dma_wait3A_56 = arith.constant 0 : i32
        %dma_wait3A_57 = tpu.memref_slice %arg5[%arg1, %dma_wait3A_55, %dma_wait3A_56] : memref<16x48x128xi32, #tpu.memory_space<hbm>> -> memref<1x48x128xi32, #tpu.memory_space<hbm>>
        %dma_wait3A_58 = tpu.memref_squeeze %dma_wait3A_57 : memref<1x48x128xi32, #tpu.memory_space<hbm>> -> memref<48x128xi32, #tpu.memory_space<hbm>>
        tpu.wait_dma2 semaphore(%run_scoped3A : memref<!tpu.dma_semaphore, #tpu.memory_space<semaphore_mem>>) src(%dma_wait3A_58 : memref<48x128xi32, #tpu.memory_space<hbm>>) dst(%dma_wait3A_54 : memref<48x128xi32, #tpu.memory_space<vmem>>)
        tpu.yield
      }) : () -> ()
      "tpu.region"() ({
        %run_scoped3A = tpu.sem_alloc : memref<!tpu.dma_semaphore, #tpu.memory_space<semaphore_mem>>
        %dma_start3A = arith.constant 0 : i32
        %dma_start3A_33 = arith.constant 0 : i32
        %dma_start3A_34 = tpu.memref_slice %arg9[%dma_start3A, %dma_start3A_33] : memref<110x128xi32, #tpu.memory_space<vmem>> -> memref<48x128xi32, #tpu.memory_space<vmem>>
        %dma_start3A_35 = arith.constant 0 : i32
        %dma_start3A_36 = arith.constant 0 : i32
        %dma_start3A_37 = tpu.memref_slice %arg6[%arg1, %dma_start3A_35, %dma_start3A_36] : memref<16x48x128xi32, #tpu.memory_space<hbm>> -> memref<1x48x128xi32, #tpu.memory_space<hbm>>
        %dma_start3A_38 = tpu.memref_squeeze %dma_start3A_37 : memref<1x48x128xi32, #tpu.memory_space<hbm>> -> memref<48x128xi32, #tpu.memory_space<hbm>>
        %dma_start3A_39 = arith.constant 0 : i32
        %dma_start3A_40 = arith.constant 0 : i32
        %dma_start3A_41 = tpu.memref_slice %arg9[%dma_start3A_39, %dma_start3A_40] : memref<110x128xi32, #tpu.memory_space<vmem>> -> memref<48x128xi32, #tpu.memory_space<vmem>>
        %dma_start3A_42 = arith.constant 0 : i32
        %dma_start3A_43 = arith.constant 0 : i32
        %dma_start3A_44 = tpu.memref_slice %arg6[%arg1, %dma_start3A_42, %dma_start3A_43] : memref<16x48x128xi32, #tpu.memory_space<hbm>> -> memref<1x48x128xi32, #tpu.memory_space<hbm>>
        %dma_start3A_45 = tpu.memref_squeeze %dma_start3A_44 : memref<1x48x128xi32, #tpu.memory_space<hbm>> -> memref<48x128xi32, #tpu.memory_space<hbm>>
        tpu.enqueue_dma source(%dma_start3A_45 : memref<48x128xi32, #tpu.memory_space<hbm>>) target(%dma_start3A_41 : memref<48x128xi32, #tpu.memory_space<vmem>>) target_semaphore(%run_scoped3A : memref<!tpu.dma_semaphore, #tpu.memory_space<semaphore_mem>>)
        %dma_wait3A = arith.constant 0 : i32
        %dma_wait3A_46 = arith.constant 0 : i32
        %dma_wait3A_47 = tpu.memref_slice %arg9[%dma_wait3A, %dma_wait3A_46] : memref<110x128xi32, #tpu.memory_space<vmem>> -> memref<48x128xi32, #tpu.memory_space<vmem>>
        %dma_wait3A_48 = arith.constant 0 : i32
        %dma_wait3A_49 = arith.constant 0 : i32
        %dma_wait3A_50 = tpu.memref_slice %arg6[%arg1, %dma_wait3A_48, %dma_wait3A_49] : memref<16x48x128xi32, #tpu.memory_space<hbm>> -> memref<1x48x128xi32, #tpu.memory_space<hbm>>
        %dma_wait3A_51 = tpu.memref_squeeze %dma_wait3A_50 : memref<1x48x128xi32, #tpu.memory_space<hbm>> -> memref<48x128xi32, #tpu.memory_space<hbm>>
        %dma_wait3A_52 = arith.constant 0 : i32
        %dma_wait3A_53 = arith.constant 0 : i32
        %dma_wait3A_54 = tpu.memref_slice %arg9[%dma_wait3A_52, %dma_wait3A_53] : memref<110x128xi32, #tpu.memory_space<vmem>> -> memref<48x128xi32, #tpu.memory_space<vmem>>
        %dma_wait3A_55 = arith.constant 0 : i32
        %dma_wait3A_56 = arith.constant 0 : i32
        %dma_wait3A_57 = tpu.memref_slice %arg6[%arg1, %dma_wait3A_55, %dma_wait3A_56] : memref<16x48x128xi32, #tpu.memory_space<hbm>> -> memref<1x48x128xi32, #tpu.memory_space<hbm>>
        %dma_wait3A_58 = tpu.memref_squeeze %dma_wait3A_57 : memref<1x48x128xi32, #tpu.memory_space<hbm>> -> memref<48x128xi32, #tpu.memory_space<hbm>>
        tpu.wait_dma2 semaphore(%run_scoped3A : memref<!tpu.dma_semaphore, #tpu.memory_space<semaphore_mem>>) src(%dma_wait3A_58 : memref<48x128xi32, #tpu.memory_space<hbm>>) dst(%dma_wait3A_54 : memref<48x128xi32, #tpu.memory_space<vmem>>)
        tpu.yield
      }) : () -> ()
    } else {
    }
    %eq3A_7 = arith.constant 0 : i32
    %eq3A_8 = arith.cmpi eq, %arg0, %eq3A_7 : i32
    %jit3A = arith.constant 110 : i32
    %jit3A_9 = arith.constant 48 : i32
    %select_n3A = arith.select %eq3A_8, %jit3A, %jit3A_9 : i32
    %broadcast_in_dim3A = arith.constant 0.000000e+00 : f32
    %broadcast_in_dim3A_10 = vector.broadcast %broadcast_in_dim3A : f32 to vector<16xf32>
    %scan3A = arith.constant 0 : i32
    %scan3A_11 = arith.constant 0 : i32
    %scan3A_12 = arith.constant 128 : i32
    %scan3A_13 = arith.addi %scan3A_11, %scan3A_12 : i32
    %scan3A_14 = arith.constant 1 : i32
    scf.for %scan3A_33 = %scan3A_11 to %scan3A_13 step %scan3A_14  : i32 {
      %swap3A = arith.index_cast %scan3A_33 : i32 to index
      %swap3A_34 = arith.constant 0 : index
      %swap3A_35 = tpu.vector_load %arg10[%swap3A, %swap3A_34] {strides = array<i32>} : memref<128x128xf32, #tpu.memory_space<vmem>>, vector<1x16xf32>,
      %swap3A_36 = vector.shape_cast %swap3A_35 : vector<1x16xf32> to vector<16xf32>
      %swap3A_37 = vector.shape_cast %broadcast_in_dim3A_10 : vector<16xf32> to vector<1x16xf32>
      tpu.vector_store %arg10[%swap3A, %swap3A_34], %swap3A_37 {strides = array<i32>} : memref<128x128xf32, #tpu.memory_space<vmem>>, vector<1x16xf32>,
      %swap3A_38 = arith.index_cast %scan3A_33 : i32 to index
      %swap3A_39 = arith.constant 16 : index
      %swap3A_40 = tpu.vector_load %arg10[%swap3A_38, %swap3A_39] {strides = array<i32>} : memref<128x128xf32, #tpu.memory_space<vmem>>, vector<1x16xf32>,
      %swap3A_41 = vector.shape_cast %swap3A_40 : vector<1x16xf32> to vector<16xf32>
      %swap3A_42 = vector.shape_cast %broadcast_in_dim3A_10 : vector<16xf32> to vector<1x16xf32>
      tpu.vector_store %arg10[%swap3A_38, %swap3A_39], %swap3A_42 {strides = array<i32>} : memref<128x128xf32, #tpu.memory_space<vmem>>, vector<1x16xf32>,
      %swap3A_43 = arith.index_cast %scan3A_33 : i32 to index
      %swap3A_44 = arith.constant 32 : index
      %swap3A_45 = tpu.vector_load %arg10[%swap3A_43, %swap3A_44] {strides = array<i32>} : memref<128x128xf32, #tpu.memory_space<vmem>>, vector<1x16xf32>,
      %swap3A_46 = vector.shape_cast %swap3A_45 : vector<1x16xf32> to vector<16xf32>
      %swap3A_47 = vector.shape_cast %broadcast_in_dim3A_10 : vector<16xf32> to vector<1x16xf32>
      tpu.vector_store %arg10[%swap3A_43, %swap3A_44], %swap3A_47 {strides = array<i32>} : memref<128x128xf32, #tpu.memory_space<vmem>>, vector<1x16xf32>,
      %swap3A_48 = arith.index_cast %scan3A_33 : i32 to index
      %swap3A_49 = arith.constant 48 : index
      %swap3A_50 = tpu.vector_load %arg10[%swap3A_48, %swap3A_49] {strides = array<i32>} : memref<128x128xf32, #tpu.memory_space<vmem>>, vector<1x16xf32>,
      %swap3A_51 = vector.shape_cast %swap3A_50 : vector<1x16xf32> to vector<16xf32>
      %swap3A_52 = vector.shape_cast %broadcast_in_dim3A_10 : vector<16xf32> to vector<1x16xf32>
      tpu.vector_store %arg10[%swap3A_48, %swap3A_49], %swap3A_52 {strides = array<i32>} : memref<128x128xf32, #tpu.memory_space<vmem>>, vector<1x16xf32>,
      %swap3A_53 = arith.index_cast %scan3A_33 : i32 to index
      %swap3A_54 = arith.constant 64 : index
      %swap3A_55 = tpu.vector_load %arg10[%swap3A_53, %swap3A_54] {strides = array<i32>} : memref<128x128xf32, #tpu.memory_space<vmem>>, vector<1x16xf32>,
      %swap3A_56 = vector.shape_cast %swap3A_55 : vector<1x16xf32> to vector<16xf32>
      %swap3A_57 = vector.shape_cast %broadcast_in_dim3A_10 : vector<16xf32> to vector<1x16xf32>
      tpu.vector_store %arg10[%swap3A_53, %swap3A_54], %swap3A_57 {strides = array<i32>} : memref<128x128xf32, #tpu.memory_space<vmem>>, vector<1x16xf32>,
      %swap3A_58 = arith.index_cast %scan3A_33 : i32 to index
      %swap3A_59 = arith.constant 80 : index
      %swap3A_60 = tpu.vector_load %arg10[%swap3A_58, %swap3A_59] {strides = array<i32>} : memref<128x128xf32, #tpu.memory_space<vmem>>, vector<1x16xf32>,
      %swap3A_61 = vector.shape_cast %swap3A_60 : vector<1x16xf32> to vector<16xf32>
      %swap3A_62 = vector.shape_cast %broadcast_in_dim3A_10 : vector<16xf32> to vector<1x16xf32>
      tpu.vector_store %arg10[%swap3A_58, %swap3A_59], %swap3A_62 {strides = array<i32>} : memref<128x128xf32, #tpu.memory_space<vmem>>, vector<1x16xf32>,
      %swap3A_63 = arith.index_cast %scan3A_33 : i32 to index
      %swap3A_64 = arith.constant 96 : index
      %swap3A_65 = tpu.vector_load %arg10[%swap3A_63, %swap3A_64] {strides = array<i32>} : memref<128x128xf32, #tpu.memory_space<vmem>>, vector<1x16xf32>,
      %swap3A_66 = vector.shape_cast %swap3A_65 : vector<1x16xf32> to vector<16xf32>
      %swap3A_67 = vector.shape_cast %broadcast_in_dim3A_10 : vector<16xf32> to vector<1x16xf32>
      tpu.vector_store %arg10[%swap3A_63, %swap3A_64], %swap3A_67 {strides = array<i32>} : memref<128x128xf32, #tpu.memory_space<vmem>>, vector<1x16xf32>,
      %swap3A_68 = arith.index_cast %scan3A_33 : i32 to index
      %swap3A_69 = arith.constant 112 : index
      %swap3A_70 = tpu.vector_load %arg10[%swap3A_68, %swap3A_69] {strides = array<i32>} : memref<128x128xf32, #tpu.memory_space<vmem>>, vector<1x16xf32>,
      %swap3A_71 = vector.shape_cast %swap3A_70 : vector<1x16xf32> to vector<16xf32>
      %swap3A_72 = vector.shape_cast %broadcast_in_dim3A_10 : vector<16xf32> to vector<1x16xf32>
      tpu.vector_store %arg10[%swap3A_68, %swap3A_69], %swap3A_72 {strides = array<i32>} : memref<128x128xf32, #tpu.memory_space<vmem>>, vector<1x16xf32>,
    }
    %scan3A_15 = arith.constant 128 : i32
    %mul3A = arith.constant 640 : i32
    %mul3A_16 = arith.muli %arg1, %mul3A : i32
    %scan3A_17 = arith.constant 0 : i32
    %scan3A_18 = arith.constant 0 : i32
    %scan3A_19 = arith.constant 5 : i32
    %scan3A_20 = arith.addi %scan3A_18, %scan3A_19 : i32
    %scan3A_21 = arith.constant 1 : i32
    scf.for %scan3A_33 = %scan3A_18 to %scan3A_20 step %scan3A_21  : i32 {
      %mul3A_34 = arith.constant 128 : i32
      %mul3A_35 = arith.muli %scan3A_33, %mul3A_34 : i32
      %add3A = arith.addi %mul3A_16, %mul3A_35 : i32
      "tpu.region"() ({
        %run_scoped3A = tpu.sem_alloc : memref<!tpu.dma_semaphore, #tpu.memory_space<semaphore_mem>>
        %dma_start3A = arith.constant 0 : i32
        %dma_start3A_36 = tpu.memref_slice %arg11[%add3A, %dma_start3A] : memref<10240x128xf32, #tpu.memory_space<vmem_shared>> -> memref<128x128xf32, #tpu.memory_space<vmem_shared>>
        %dma_start3A_37 = arith.constant 0 : i32
        %dma_start3A_38 = tpu.memref_slice %arg11[%add3A, %dma_start3A_37] : memref<10240x128xf32, #tpu.memory_space<vmem_shared>> -> memref<128x128xf32, #tpu.memory_space<vmem_shared>>
        tpu.enqueue_dma source(%arg10 : memref<128x128xf32, #tpu.memory_space<vmem>>) target(%dma_start3A_38 : memref<128x128xf32, #tpu.memory_space<vmem_shared>>) target_semaphore(%run_scoped3A : memref<!tpu.dma_semaphore, #tpu.memory_space<semaphore_mem>>)
        %dma_wait3A = arith.constant 0 : i32
        %dma_wait3A_39 = tpu.memref_slice %arg11[%add3A, %dma_wait3A] : memref<10240x128xf32, #tpu.memory_space<vmem_shared>> -> memref<128x128xf32, #tpu.memory_space<vmem_shared>>
        %dma_wait3A_40 = arith.constant 0 : i32
        %dma_wait3A_41 = tpu.memref_slice %arg11[%add3A, %dma_wait3A_40] : memref<10240x128xf32, #tpu.memory_space<vmem_shared>> -> memref<128x128xf32, #tpu.memory_space<vmem_shared>>
        tpu.wait_dma2 semaphore(%run_scoped3A : memref<!tpu.dma_semaphore, #tpu.memory_space<semaphore_mem>>) src(%arg10 : memref<128x128xf32, #tpu.memory_space<vmem>>) dst(%dma_wait3A_41 : memref<128x128xf32, #tpu.memory_space<vmem_shared>>)
        tpu.yield
      }) : () -> ()
    }
    %scan3A_22 = arith.constant 5 : i32
    %barrier3A = arith.constant 0 : index
    tpu.barrier barrier_id(%barrier3A)
    %while3A = arith.constant 0 : i32
    %while3A_23 = arith.constant 0 : i32
    %while3A_24 = arith.subi %select_n3A, %while3A_23 : i32
    %while3A_25 = arith.addi %while3A_23, %while3A_24 : i32
    %while3A_26 = arith.constant 1 : i32
    %while3A_27 = arith.divsi %while3A_24, %while3A_26 : i32
    %while3A_28 = arith.muli %while3A_27, %while3A_26 : i32
    %while3A_29 = arith.addi %while3A_23, %while3A_28 : i32
    %while3A_30 = arith.constant 1 : i32
    scf.for %while3A_33 = %while3A_23 to %while3A_29 step %while3A_30  : i32 {
      %dma_start3A = arith.constant 0 : i32
      %dma_start3A_34 = tpu.memref_slice %arg8[%while3A_33, %dma_start3A] : memref<110x128xi32, #tpu.memory_space<vmem>> -> memref<1x128xi32, #tpu.memory_space<vmem>>
      %dma_start3A_35 = tpu.memref_squeeze %dma_start3A_34 : memref<1x128xi32, #tpu.memory_space<vmem>> -> memref<128xi32, #tpu.memory_space<vmem>>
      %dma_start3A_36 = arith.constant 0 : i32
      %dma_start3A_37 = arith.constant 0 : i32
      %dma_start3A_38 = tpu.memref_slice %arg2[%dma_start3A_36, %dma_start3A_37] : memref<10000x128xf32, #tpu.memory_space<hbm>> -> memref<10000x128xf32, #tpu.memory_space<hbm>>
      tpu.enqueue_indirect_dma source(%dma_start3A_38 : memref<10000x128xf32, #tpu.memory_space<hbm>>) target(%arg10 : memref<128x128xf32, #tpu.memory_space<vmem>>) offsets(%dma_start3A_35 : memref<128xi32, #tpu.memory_space<vmem>>) semaphore(%arg12 : memref<!tpu.dma_semaphore, #tpu.memory_space<semaphore_mem>>)
      %dma_wait3A = arith.constant 0 : i32
      %dma_wait3A_39 = tpu.memref_slice %arg8[%while3A_33, %dma_wait3A] : memref<110x128xi32, #tpu.memory_space<vmem>> -> memref<1x128xi32, #tpu.memory_space<vmem>>
      %dma_wait3A_40 = tpu.memref_squeeze %dma_wait3A_39 : memref<1x128xi32, #tpu.memory_space<vmem>> -> memref<128xi32, #tpu.memory_space<vmem>>
      %dma_wait3A_41 = arith.constant 0 : i32
      %dma_wait3A_42 = arith.constant 0 : i32
      %dma_wait3A_43 = tpu.memref_slice %arg2[%dma_wait3A_41, %dma_wait3A_42] : memref<10000x128xf32, #tpu.memory_space<hbm>> -> memref<10000x128xf32, #tpu.memory_space<hbm>>
      tpu.wait_indirect_dma semaphore(%arg12 : memref<!tpu.dma_semaphore, #tpu.memory_space<semaphore_mem>>) src(%dma_wait3A_43 : memref<10000x128xf32, #tpu.memory_space<hbm>>) dst(%arg10 : memref<128x128xf32, #tpu.memory_space<vmem>>)
      "tpu.region"() ({
        %run_scoped3A = tpu.sem_alloc : memref<!tpu.dma_semaphore, #tpu.memory_space<semaphore_mem>>
        %dma_start3A_44 = arith.constant 0 : i32
        %dma_start3A_45 = tpu.memref_slice %arg9[%while3A_33, %dma_start3A_44] : memref<110x128xi32, #tpu.memory_space<vmem>> -> memref<1x128xi32, #tpu.memory_space<vmem>>
        %dma_start3A_46 = tpu.memref_squeeze %dma_start3A_45 : memref<1x128xi32, #tpu.memory_space<vmem>> -> memref<128xi32, #tpu.memory_space<vmem>>
        %dma_start3A_47 = arith.constant 0 : i32
        %dma_start3A_48 = arith.constant 0 : i32
        %dma_start3A_49 = tpu.memref_slice %arg11[%dma_start3A_47, %dma_start3A_48] : memref<10240x128xf32, #tpu.memory_space<vmem_shared>> -> memref<10240x128xf32, #tpu.memory_space<vmem_shared>>
        tpu.enqueue_indirect_dma source(%arg10 : memref<128x128xf32, #tpu.memory_space<vmem>>) target(%dma_start3A_49 : memref<10240x128xf32, #tpu.memory_space<vmem_shared>>) offsets(%dma_start3A_46 : memref<128xi32, #tpu.memory_space<vmem>>) semaphore(%run_scoped3A : memref<!tpu.dma_semaphore, #tpu.memory_space<semaphore_mem>>) {add = true}
        %dma_wait3A_50 = arith.constant 0 : i32
        %dma_wait3A_51 = tpu.memref_slice %arg9[%while3A_33, %dma_wait3A_50] : memref<110x128xi32, #tpu.memory_space<vmem>> -> memref<1x128xi32, #tpu.memory_space<vmem>>
        %dma_wait3A_52 = tpu.memref_squeeze %dma_wait3A_51 : memref<1x128xi32, #tpu.memory_space<vmem>> -> memref<128xi32, #tpu.memory_space<vmem>>
        %dma_wait3A_53 = arith.constant 0 : i32
        %dma_wait3A_54 = arith.constant 0 : i32
        %dma_wait3A_55 = tpu.memref_slice %arg11[%dma_wait3A_53, %dma_wait3A_54] : memref<10240x128xf32, #tpu.memory_space<vmem_shared>> -> memref<10240x128xf32, #tpu.memory_space<vmem_shared>>
        tpu.wait_indirect_dma semaphore(%run_scoped3A : memref<!tpu.dma_semaphore, #tpu.memory_space<semaphore_mem>>) src(%arg10 : memref<128x128xf32, #tpu.memory_space<vmem>>) dst(%dma_wait3A_55 : memref<10240x128xf32, #tpu.memory_space<vmem_shared>>)
        tpu.yield
      }) : () -> ()
    }
    %while3A_31 = arith.constant 1 : i32
    scf.for %while3A_33 = %while3A_29 to %while3A_25 step %while3A_31  : i32 {
      %dma_start3A = arith.constant 0 : i32
      %dma_start3A_34 = tpu.memref_slice %arg8[%while3A_33, %dma_start3A] : memref<110x128xi32, #tpu.memory_space<vmem>> -> memref<1x128xi32, #tpu.memory_space<vmem>>
      %dma_start3A_35 = tpu.memref_squeeze %dma_start3A_34 : memref<1x128xi32, #tpu.memory_space<vmem>> -> memref<128xi32, #tpu.memory_space<vmem>>
      %dma_start3A_36 = arith.constant 0 : i32
      %dma_start3A_37 = arith.constant 0 : i32
      %dma_start3A_38 = tpu.memref_slice %arg2[%dma_start3A_36, %dma_start3A_37] : memref<10000x128xf32, #tpu.memory_space<hbm>> -> memref<10000x128xf32, #tpu.memory_space<hbm>>
      tpu.enqueue_indirect_dma source(%dma_start3A_38 : memref<10000x128xf32, #tpu.memory_space<hbm>>) target(%arg10 : memref<128x128xf32, #tpu.memory_space<vmem>>) offsets(%dma_start3A_35 : memref<128xi32, #tpu.memory_space<vmem>>) semaphore(%arg12 : memref<!tpu.dma_semaphore, #tpu.memory_space<semaphore_mem>>)
      %dma_wait3A = arith.constant 0 : i32
      %dma_wait3A_39 = tpu.memref_slice %arg8[%while3A_33, %dma_wait3A] : memref<110x128xi32, #tpu.memory_space<vmem>> -> memref<1x128xi32, #tpu.memory_space<vmem>>
      %dma_wait3A_40 = tpu.memref_squeeze %dma_wait3A_39 : memref<1x128xi32, #tpu.memory_space<vmem>> -> memref<128xi32, #tpu.memory_space<vmem>>
      %dma_wait3A_41 = arith.constant 0 : i32
      %dma_wait3A_42 = arith.constant 0 : i32
      %dma_wait3A_43 = tpu.memref_slice %arg2[%dma_wait3A_41, %dma_wait3A_42] : memref<10000x128xf32, #tpu.memory_space<hbm>> -> memref<10000x128xf32, #tpu.memory_space<hbm>>
      tpu.wait_indirect_dma semaphore(%arg12 : memref<!tpu.dma_semaphore, #tpu.memory_space<semaphore_mem>>) src(%dma_wait3A_43 : memref<10000x128xf32, #tpu.memory_space<hbm>>) dst(%arg10 : memref<128x128xf32, #tpu.memory_space<vmem>>)
      "tpu.region"() ({
        %run_scoped3A = tpu.sem_alloc : memref<!tpu.dma_semaphore, #tpu.memory_space<semaphore_mem>>
        %dma_start3A_44 = arith.constant 0 : i32
        %dma_start3A_45 = tpu.memref_slice %arg9[%while3A_33, %dma_start3A_44] : memref<110x128xi32, #tpu.memory_space<vmem>> -> memref<1x128xi32, #tpu.memory_space<vmem>>
        %dma_start3A_46 = tpu.memref_squeeze %dma_start3A_45 : memref<1x128xi32, #tpu.memory_space<vmem>> -> memref<128xi32, #tpu.memory_space<vmem>>
        %dma_start3A_47 = arith.constant 0 : i32
        %dma_start3A_48 = arith.constant 0 : i32
        %dma_start3A_49 = tpu.memref_slice %arg11[%dma_start3A_47, %dma_start3A_48] : memref<10240x128xf32, #tpu.memory_space<vmem_shared>> -> memref<10240x128xf32, #tpu.memory_space<vmem_shared>>
        tpu.enqueue_indirect_dma source(%arg10 : memref<128x128xf32, #tpu.memory_space<vmem>>) target(%dma_start3A_49 : memref<10240x128xf32, #tpu.memory_space<vmem_shared>>) offsets(%dma_start3A_46 : memref<128xi32, #tpu.memory_space<vmem>>) semaphore(%run_scoped3A : memref<!tpu.dma_semaphore, #tpu.memory_space<semaphore_mem>>) {add = true}
        %dma_wait3A_50 = arith.constant 0 : i32
        %dma_wait3A_51 = tpu.memref_slice %arg9[%while3A_33, %dma_wait3A_50] : memref<110x128xi32, #tpu.memory_space<vmem>> -> memref<1x128xi32, #tpu.memory_space<vmem>>
        %dma_wait3A_52 = tpu.memref_squeeze %dma_wait3A_51 : memref<1x128xi32, #tpu.memory_space<vmem>> -> memref<128xi32, #tpu.memory_space<vmem>>
        %dma_wait3A_53 = arith.constant 0 : i32
        %dma_wait3A_54 = arith.constant 0 : i32
        %dma_wait3A_55 = tpu.memref_slice %arg11[%dma_wait3A_53, %dma_wait3A_54] : memref<10240x128xf32, #tpu.memory_space<vmem_shared>> -> memref<10240x128xf32, #tpu.memory_space<vmem_shared>>
        tpu.wait_indirect_dma semaphore(%run_scoped3A : memref<!tpu.dma_semaphore, #tpu.memory_space<semaphore_mem>>) src(%arg10 : memref<128x128xf32, #tpu.memory_space<vmem>>) dst(%dma_wait3A_55 : memref<10240x128xf32, #tpu.memory_space<vmem_shared>>)
        tpu.yield
      }) : () -> ()
    }
    %barrier3A_32 = arith.constant 0 : index
    tpu.barrier barrier_id(%barrier3A_32)
    "tpu.region"() ({
      %run_scoped3A = tpu.sem_alloc : memref<!tpu.dma_semaphore, #tpu.memory_space<semaphore_mem>>
      %dma_start3A = arith.constant 0 : i32
      %dma_start3A_33 = arith.constant 0 : i32
      %dma_start3A_34 = tpu.memref_slice %arg7[%arg0, %dma_start3A, %dma_start3A_33] : memref<2x10240x128xf32, #tpu.memory_space<hbm>> -> memref<1x10240x128xf32, #tpu.memory_space<hbm>>
      %dma_start3A_35 = tpu.memref_squeeze %dma_start3A_34 : memref<1x10240x128xf32, #tpu.memory_space<hbm>> -> memref<10240x128xf32, #tpu.memory_space<hbm>>
      %dma_start3A_36 = arith.constant 0 : i32
      %dma_start3A_37 = tpu.memref_slice %dma_start3A_35[%mul3A_16, %dma_start3A_36] : memref<10240x128xf32, #tpu.memory_space<hbm>> -> memref<640x128xf32, #tpu.memory_space<hbm>>
      %dma_start3A_38 = arith.constant 0 : i32
      %dma_start3A_39 = tpu.memref_slice %arg11[%mul3A_16, %dma_start3A_38] : memref<10240x128xf32, #tpu.memory_space<vmem_shared>> -> memref<640x128xf32, #tpu.memory_space<vmem_shared>>
      tpu.enqueue_dma source(%dma_start3A_39 : memref<640x128xf32, #tpu.memory_space<vmem_shared>>) target(%dma_start3A_37 : memref<640x128xf32, #tpu.memory_space<hbm>>) target_semaphore(%run_scoped3A : memref<!tpu.dma_semaphore, #tpu.memory_space<semaphore_mem>>)
      %dma_wait3A = arith.constant 0 : i32
      %dma_wait3A_40 = arith.constant 0 : i32
      %dma_wait3A_41 = tpu.memref_slice %arg7[%arg0, %dma_wait3A, %dma_wait3A_40] : memref<2x10240x128xf32, #tpu.memory_space<hbm>> -> memref<1x10240x128xf32, #tpu.memory_space<hbm>>
      %dma_wait3A_42 = tpu.memref_squeeze %dma_wait3A_41 : memref<1x10240x128xf32, #tpu.memory_space<hbm>> -> memref<10240x128xf32, #tpu.memory_space<hbm>>
      %dma_wait3A_43 = arith.constant 0 : i32
      %dma_wait3A_44 = tpu.memref_slice %dma_wait3A_42[%mul3A_16, %dma_wait3A_43] : memref<10240x128xf32, #tpu.memory_space<hbm>> -> memref<640x128xf32, #tpu.memory_space<hbm>>
      %dma_wait3A_45 = arith.constant 0 : i32
      %dma_wait3A_46 = tpu.memref_slice %arg11[%mul3A_16, %dma_wait3A_45] : memref<10240x128xf32, #tpu.memory_space<vmem_shared>> -> memref<640x128xf32, #tpu.memory_space<vmem_shared>>
      tpu.wait_dma2 semaphore(%run_scoped3A : memref<!tpu.dma_semaphore, #tpu.memory_space<semaphore_mem>>) src(%dma_wait3A_46 : memref<640x128xf32, #tpu.memory_space<vmem_shared>>) dst(%dma_wait3A_44 : memref<640x128xf32, #tpu.memory_space<hbm>>)
      tpu.yield
    }) : () -> ()
    return
  }
}

#map = affine_map<(d0, d1) -> (0, 0)>
#map1 = affine_map<(d0, d1) -> (0, 0, 0)>
module attributes {stable_mosaic.version = 14 : i64} {
  func.func @_sc_segment_sum(%arg0: i32, %arg1: i32, %arg2: memref<10000x128xf32, #tpu.memory_space<hbm>>, %arg3: memref<16x110x128xi32, #tpu.memory_space<hbm>>, %arg4: memref<16x110x128xi32, #tpu.memory_space<hbm>>, %arg5: memref<16x48x128xi32, #tpu.memory_space<hbm>>, %arg6: memref<16x48x128xi32, #tpu.memory_space<hbm>>, %arg7: memref<2x10240x128xf32, #tpu.memory_space<hbm>>, %arg8: memref<110x128xi32, #tpu.memory_space<vmem>>, %arg9: memref<110x128xi32, #tpu.memory_space<vmem>>, %arg10: memref<128x128xf32, #tpu.memory_space<vmem>>, %arg11: memref<10240x128xf32, #tpu.memory_space<vmem_shared>>, %arg12: memref<!tpu.dma_semaphore, #tpu.memory_space<semaphore_mem>>) attributes {dimension_semantics = [#tpu.dimension_semantics<core_parallel>, #tpu.dimension_semantics<subcore_parallel>], iteration_bounds = array<i64: 2, 16>, scalar_prefetch = 0 : i64, scratch_operands = 5 : i64, tpu.core_type = #tpu.core_type<sc_vector_subcore>, window_params = [{transform_indices = #map}, {transform_indices = #map1}, {transform_indices = #map1}, {transform_indices = #map1}, {transform_indices = #map1}, {transform_indices = #map1}]} {
    %eq3A = arith.constant 0 : i32
    %eq3A_0 = arith.cmpi eq, %arg0, %eq3A : i32
    %convert_element_type3A = arith.extui %eq3A_0 : i1 to i32
    %cond3A = arith.constant 0 : i32
    %cond3A_1 = arith.cmpi ne, %convert_element_type3A, %cond3A : i32
    scf.if %cond3A_1 {
      "tpu.region"() ({
        %run_scoped3A = tpu.sem_alloc : memref<!tpu.dma_semaphore, #tpu.memory_space<semaphore_mem>>
        %dma_start3A = arith.constant 0 : i32
        %dma_start3A_33 = arith.constant 0 : i32
        %dma_start3A_34 = tpu.memref_slice %arg8[%dma_start3A, %dma_start3A_33] : memref<110x128xi32, #tpu.memory_space<vmem>> -> memref<110x128xi32, #tpu.memory_space<vmem>>
        %dma_start3A_35 = arith.constant 0 : i32
        %dma_start3A_36 = arith.constant 0 : i32
        %dma_start3A_37 = tpu.memref_slice %arg3[%arg1, %dma_start3A_35, %dma_start3A_36] : memref<16x110x128xi32, #tpu.memory_space<hbm>> -> memref<1x110x128xi32, #tpu.memory_space<hbm>>
        %dma_start3A_38 = tpu.memref_squeeze %dma_start3A_37 : memref<1x110x128xi32, #tpu.memory_space<hbm>> -> memref<110x128xi32, #tpu.memory_space<hbm>>
        %dma_start3A_39 = arith.constant 0 : i32
        %dma_start3A_40 = arith.constant 0 : i32
        %dma_start3A_41 = tpu.memref_slice %arg8[%dma_start3A_39, %dma_start3A_40] : memref<110x128xi32, #tpu.memory_space<vmem>> -> memref<110x128xi32, #tpu.memory_space<vmem>>
        %dma_start3A_42 = arith.constant 0 : i32
        %dma_start3A_43 = arith.constant 0 : i32
        %dma_start3A_44 = tpu.memref_slice %arg3[%arg1, %dma_start3A_42, %dma_start3A_43] : memref<16x110x128xi32, #tpu.memory_space<hbm>> -> memref<1x110x128xi32, #tpu.memory_space<hbm>>
        %dma_start3A_45 = tpu.memref_squeeze %dma_start3A_44 : memref<1x110x128xi32, #tpu.memory_space<hbm>> -> memref<110x128xi32, #tpu.memory_space<hbm>>
        tpu.enqueue_dma source(%dma_start3A_45 : memref<110x128xi32, #tpu.memory_space<hbm>>) target(%dma_start3A_41 : memref<110x128xi32, #tpu.memory_space<vmem>>) target_semaphore(%run_scoped3A : memref<!tpu.dma_semaphore, #tpu.memory_space<semaphore_mem>>)
        %dma_wait3A = arith.constant 0 : i32
        %dma_wait3A_46 = arith.constant 0 : i32
        %dma_wait3A_47 = tpu.memref_slice %arg8[%dma_wait3A, %dma_wait3A_46] : memref<110x128xi32, #tpu.memory_space<vmem>> -> memref<110x128xi32, #tpu.memory_space<vmem>>
        %dma_wait3A_48 = arith.constant 0 : i32
        %dma_wait3A_49 = arith.constant 0 : i32
        %dma_wait3A_50 = tpu.memref_slice %arg3[%arg1, %dma_wait3A_48, %dma_wait3A_49] : memref<16x110x128xi32, #tpu.memory_space<hbm>> -> memref<1x110x128xi32, #tpu.memory_space<hbm>>
        %dma_wait3A_51 = tpu.memref_squeeze %dma_wait3A_50 : memref<1x110x128xi32, #tpu.memory_space<hbm>> -> memref<110x128xi32, #tpu.memory_space<hbm>>
        %dma_wait3A_52 = arith.constant 0 : i32
        %dma_wait3A_53 = arith.constant 0 : i32
        %dma_wait3A_54 = tpu.memref_slice %arg8[%dma_wait3A_52, %dma_wait3A_53] : memref<110x128xi32, #tpu.memory_space<vmem>> -> memref<110x128xi32, #tpu.memory_space<vmem>>
        %dma_wait3A_55 = arith.constant 0 : i32
        %dma_wait3A_56 = arith.constant 0 : i32
        %dma_wait3A_57 = tpu.memref_slice %arg3[%arg1, %dma_wait3A_55, %dma_wait3A_56] : memref<16x110x128xi32, #tpu.memory_space<hbm>> -> memref<1x110x128xi32, #tpu.memory_space<hbm>>
        %dma_wait3A_58 = tpu.memref_squeeze %dma_wait3A_57 : memref<1x110x128xi32, #tpu.memory_space<hbm>> -> memref<110x128xi32, #tpu.memory_space<hbm>>
        tpu.wait_dma2 semaphore(%run_scoped3A : memref<!tpu.dma_semaphore, #tpu.memory_space<semaphore_mem>>) src(%dma_wait3A_58 : memref<110x128xi32, #tpu.memory_space<hbm>>) dst(%dma_wait3A_54 : memref<110x128xi32, #tpu.memory_space<vmem>>)
        tpu.yield
      }) : () -> ()
      "tpu.region"() ({
        %run_scoped3A = tpu.sem_alloc : memref<!tpu.dma_semaphore, #tpu.memory_space<semaphore_mem>>
        %dma_start3A = arith.constant 0 : i32
        %dma_start3A_33 = arith.constant 0 : i32
        %dma_start3A_34 = tpu.memref_slice %arg9[%dma_start3A, %dma_start3A_33] : memref<110x128xi32, #tpu.memory_space<vmem>> -> memref<110x128xi32, #tpu.memory_space<vmem>>
        %dma_start3A_35 = arith.constant 0 : i32
        %dma_start3A_36 = arith.constant 0 : i32
        %dma_start3A_37 = tpu.memref_slice %arg4[%arg1, %dma_start3A_35, %dma_start3A_36] : memref<16x110x128xi32, #tpu.memory_space<hbm>> -> memref<1x110x128xi32, #tpu.memory_space<hbm>>
        %dma_start3A_38 = tpu.memref_squeeze %dma_start3A_37 : memref<1x110x128xi32, #tpu.memory_space<hbm>> -> memref<110x128xi32, #tpu.memory_space<hbm>>
        %dma_start3A_39 = arith.constant 0 : i32
        %dma_start3A_40 = arith.constant 0 : i32
        %dma_start3A_41 = tpu.memref_slice %arg9[%dma_start3A_39, %dma_start3A_40] : memref<110x128xi32, #tpu.memory_space<vmem>> -> memref<110x128xi32, #tpu.memory_space<vmem>>
        %dma_start3A_42 = arith.constant 0 : i32
        %dma_start3A_43 = arith.constant 0 : i32
        %dma_start3A_44 = tpu.memref_slice %arg4[%arg1, %dma_start3A_42, %dma_start3A_43] : memref<16x110x128xi32, #tpu.memory_space<hbm>> -> memref<1x110x128xi32, #tpu.memory_space<hbm>>
        %dma_start3A_45 = tpu.memref_squeeze %dma_start3A_44 : memref<1x110x128xi32, #tpu.memory_space<hbm>> -> memref<110x128xi32, #tpu.memory_space<hbm>>
        tpu.enqueue_dma source(%dma_start3A_45 : memref<110x128xi32, #tpu.memory_space<hbm>>) target(%dma_start3A_41 : memref<110x128xi32, #tpu.memory_space<vmem>>) target_semaphore(%run_scoped3A : memref<!tpu.dma_semaphore, #tpu.memory_space<semaphore_mem>>)
        %dma_wait3A = arith.constant 0 : i32
        %dma_wait3A_46 = arith.constant 0 : i32
        %dma_wait3A_47 = tpu.memref_slice %arg9[%dma_wait3A, %dma_wait3A_46] : memref<110x128xi32, #tpu.memory_space<vmem>> -> memref<110x128xi32, #tpu.memory_space<vmem>>
        %dma_wait3A_48 = arith.constant 0 : i32
        %dma_wait3A_49 = arith.constant 0 : i32
        %dma_wait3A_50 = tpu.memref_slice %arg4[%arg1, %dma_wait3A_48, %dma_wait3A_49] : memref<16x110x128xi32, #tpu.memory_space<hbm>> -> memref<1x110x128xi32, #tpu.memory_space<hbm>>
        %dma_wait3A_51 = tpu.memref_squeeze %dma_wait3A_50 : memref<1x110x128xi32, #tpu.memory_space<hbm>> -> memref<110x128xi32, #tpu.memory_space<hbm>>
        %dma_wait3A_52 = arith.constant 0 : i32
        %dma_wait3A_53 = arith.constant 0 : i32
        %dma_wait3A_54 = tpu.memref_slice %arg9[%dma_wait3A_52, %dma_wait3A_53] : memref<110x128xi32, #tpu.memory_space<vmem>> -> memref<110x128xi32, #tpu.memory_space<vmem>>
        %dma_wait3A_55 = arith.constant 0 : i32
        %dma_wait3A_56 = arith.constant 0 : i32
        %dma_wait3A_57 = tpu.memref_slice %arg4[%arg1, %dma_wait3A_55, %dma_wait3A_56] : memref<16x110x128xi32, #tpu.memory_space<hbm>> -> memref<1x110x128xi32, #tpu.memory_space<hbm>>
        %dma_wait3A_58 = tpu.memref_squeeze %dma_wait3A_57 : memref<1x110x128xi32, #tpu.memory_space<hbm>> -> memref<110x128xi32, #tpu.memory_space<hbm>>
        tpu.wait_dma2 semaphore(%run_scoped3A : memref<!tpu.dma_semaphore, #tpu.memory_space<semaphore_mem>>) src(%dma_wait3A_58 : memref<110x128xi32, #tpu.memory_space<hbm>>) dst(%dma_wait3A_54 : memref<110x128xi32, #tpu.memory_space<vmem>>)
        tpu.yield
      }) : () -> ()
    } else {
    }
    %eq3A_2 = arith.constant 1 : i32
    %eq3A_3 = arith.cmpi eq, %arg0, %eq3A_2 : i32
    %convert_element_type3A_4 = arith.extui %eq3A_3 : i1 to i32
    %cond3A_5 = arith.constant 0 : i32
    %cond3A_6 = arith.cmpi ne, %convert_element_type3A_4, %cond3A_5 : i32
    scf.if %cond3A_6 {
      "tpu.region"() ({
        %run_scoped3A = tpu.sem_alloc : memref<!tpu.dma_semaphore, #tpu.memory_space<semaphore_mem>>
        %dma_start3A = arith.constant 0 : i32
        %dma_start3A_33 = arith.constant 0 : i32
        %dma_start3A_34 = tpu.memref_slice %arg8[%dma_start3A, %dma_start3A_33] : memref<110x128xi32, #tpu.memory_space<vmem>> -> memref<48x128xi32, #tpu.memory_space<vmem>>
        %dma_start3A_35 = arith.constant 0 : i32
        %dma_start3A_36 = arith.constant 0 : i32
        %dma_start3A_37 = tpu.memref_slice %arg5[%arg1, %dma_start3A_35, %dma_start3A_36] : memref<16x48x128xi32, #tpu.memory_space<hbm>> -> memref<1x48x128xi32, #tpu.memory_space<hbm>>
        %dma_start3A_38 = tpu.memref_squeeze %dma_start3A_37 : memref<1x48x128xi32, #tpu.memory_space<hbm>> -> memref<48x128xi32, #tpu.memory_space<hbm>>
        %dma_start3A_39 = arith.constant 0 : i32
        %dma_start3A_40 = arith.constant 0 : i32
        %dma_start3A_41 = tpu.memref_slice %arg8[%dma_start3A_39, %dma_start3A_40] : memref<110x128xi32, #tpu.memory_space<vmem>> -> memref<48x128xi32, #tpu.memory_space<vmem>>
        %dma_start3A_42 = arith.constant 0 : i32
        %dma_start3A_43 = arith.constant 0 : i32
        %dma_start3A_44 = tpu.memref_slice %arg5[%arg1, %dma_start3A_42, %dma_start3A_43] : memref<16x48x128xi32, #tpu.memory_space<hbm>> -> memref<1x48x128xi32, #tpu.memory_space<hbm>>
        %dma_start3A_45 = tpu.memref_squeeze %dma_start3A_44 : memref<1x48x128xi32, #tpu.memory_space<hbm>> -> memref<48x128xi32, #tpu.memory_space<hbm>>
        tpu.enqueue_dma source(%dma_start3A_45 : memref<48x128xi32, #tpu.memory_space<hbm>>) target(%dma_start3A_41 : memref<48x128xi32, #tpu.memory_space<vmem>>) target_semaphore(%run_scoped3A : memref<!tpu.dma_semaphore, #tpu.memory_space<semaphore_mem>>)
        %dma_wait3A = arith.constant 0 : i32
        %dma_wait3A_46 = arith.constant 0 : i32
        %dma_wait3A_47 = tpu.memref_slice %arg8[%dma_wait3A, %dma_wait3A_46] : memref<110x128xi32, #tpu.memory_space<vmem>> -> memref<48x128xi32, #tpu.memory_space<vmem>>
        %dma_wait3A_48 = arith.constant 0 : i32
        %dma_wait3A_49 = arith.constant 0 : i32
        %dma_wait3A_50 = tpu.memref_slice %arg5[%arg1, %dma_wait3A_48, %dma_wait3A_49] : memref<16x48x128xi32, #tpu.memory_space<hbm>> -> memref<1x48x128xi32, #tpu.memory_space<hbm>>
        %dma_wait3A_51 = tpu.memref_squeeze %dma_wait3A_50 : memref<1x48x128xi32, #tpu.memory_space<hbm>> -> memref<48x128xi32, #tpu.memory_space<hbm>>
        %dma_wait3A_52 = arith.constant 0 : i32
        %dma_wait3A_53 = arith.constant 0 : i32
        %dma_wait3A_54 = tpu.memref_slice %arg8[%dma_wait3A_52, %dma_wait3A_53] : memref<110x128xi32, #tpu.memory_space<vmem>> -> memref<48x128xi32, #tpu.memory_space<vmem>>
        %dma_wait3A_55 = arith.constant 0 : i32
        %dma_wait3A_56 = arith.constant 0 : i32
        %dma_wait3A_57 = tpu.memref_slice %arg5[%arg1, %dma_wait3A_55, %dma_wait3A_56] : memref<16x48x128xi32, #tpu.memory_space<hbm>> -> memref<1x48x128xi32, #tpu.memory_space<hbm>>
        %dma_wait3A_58 = tpu.memref_squeeze %dma_wait3A_57 : memref<1x48x128xi32, #tpu.memory_space<hbm>> -> memref<48x128xi32, #tpu.memory_space<hbm>>
        tpu.wait_dma2 semaphore(%run_scoped3A : memref<!tpu.dma_semaphore, #tpu.memory_space<semaphore_mem>>) src(%dma_wait3A_58 : memref<48x128xi32, #tpu.memory_space<hbm>>) dst(%dma_wait3A_54 : memref<48x128xi32, #tpu.memory_space<vmem>>)
        tpu.yield
      }) : () -> ()
      "tpu.region"() ({
        %run_scoped3A = tpu.sem_alloc : memref<!tpu.dma_semaphore, #tpu.memory_space<semaphore_mem>>
        %dma_start3A = arith.constant 0 : i32
        %dma_start3A_33 = arith.constant 0 : i32
        %dma_start3A_34 = tpu.memref_slice %arg9[%dma_start3A, %dma_start3A_33] : memref<110x128xi32, #tpu.memory_space<vmem>> -> memref<48x128xi32, #tpu.memory_space<vmem>>
        %dma_start3A_35 = arith.constant 0 : i32
        %dma_start3A_36 = arith.constant 0 : i32
        %dma_start3A_37 = tpu.memref_slice %arg6[%arg1, %dma_start3A_35, %dma_start3A_36] : memref<16x48x128xi32, #tpu.memory_space<hbm>> -> memref<1x48x128xi32, #tpu.memory_space<hbm>>
        %dma_start3A_38 = tpu.memref_squeeze %dma_start3A_37 : memref<1x48x128xi32, #tpu.memory_space<hbm>> -> memref<48x128xi32, #tpu.memory_space<hbm>>
        %dma_start3A_39 = arith.constant 0 : i32
        %dma_start3A_40 = arith.constant 0 : i32
        %dma_start3A_41 = tpu.memref_slice %arg9[%dma_start3A_39, %dma_start3A_40] : memref<110x128xi32, #tpu.memory_space<vmem>> -> memref<48x128xi32, #tpu.memory_space<vmem>>
        %dma_start3A_42 = arith.constant 0 : i32
        %dma_start3A_43 = arith.constant 0 : i32
        %dma_start3A_44 = tpu.memref_slice %arg6[%arg1, %dma_start3A_42, %dma_start3A_43] : memref<16x48x128xi32, #tpu.memory_space<hbm>> -> memref<1x48x128xi32, #tpu.memory_space<hbm>>
        %dma_start3A_45 = tpu.memref_squeeze %dma_start3A_44 : memref<1x48x128xi32, #tpu.memory_space<hbm>> -> memref<48x128xi32, #tpu.memory_space<hbm>>
        tpu.enqueue_dma source(%dma_start3A_45 : memref<48x128xi32, #tpu.memory_space<hbm>>) target(%dma_start3A_41 : memref<48x128xi32, #tpu.memory_space<vmem>>) target_semaphore(%run_scoped3A : memref<!tpu.dma_semaphore, #tpu.memory_space<semaphore_mem>>)
        %dma_wait3A = arith.constant 0 : i32
        %dma_wait3A_46 = arith.constant 0 : i32
        %dma_wait3A_47 = tpu.memref_slice %arg9[%dma_wait3A, %dma_wait3A_46] : memref<110x128xi32, #tpu.memory_space<vmem>> -> memref<48x128xi32, #tpu.memory_space<vmem>>
        %dma_wait3A_48 = arith.constant 0 : i32
        %dma_wait3A_49 = arith.constant 0 : i32
        %dma_wait3A_50 = tpu.memref_slice %arg6[%arg1, %dma_wait3A_48, %dma_wait3A_49] : memref<16x48x128xi32, #tpu.memory_space<hbm>> -> memref<1x48x128xi32, #tpu.memory_space<hbm>>
        %dma_wait3A_51 = tpu.memref_squeeze %dma_wait3A_50 : memref<1x48x128xi32, #tpu.memory_space<hbm>> -> memref<48x128xi32, #tpu.memory_space<hbm>>
        %dma_wait3A_52 = arith.constant 0 : i32
        %dma_wait3A_53 = arith.constant 0 : i32
        %dma_wait3A_54 = tpu.memref_slice %arg9[%dma_wait3A_52, %dma_wait3A_53] : memref<110x128xi32, #tpu.memory_space<vmem>> -> memref<48x128xi32, #tpu.memory_space<vmem>>
        %dma_wait3A_55 = arith.constant 0 : i32
        %dma_wait3A_56 = arith.constant 0 : i32
        %dma_wait3A_57 = tpu.memref_slice %arg6[%arg1, %dma_wait3A_55, %dma_wait3A_56] : memref<16x48x128xi32, #tpu.memory_space<hbm>> -> memref<1x48x128xi32, #tpu.memory_space<hbm>>
        %dma_wait3A_58 = tpu.memref_squeeze %dma_wait3A_57 : memref<1x48x128xi32, #tpu.memory_space<hbm>> -> memref<48x128xi32, #tpu.memory_space<hbm>>
        tpu.wait_dma2 semaphore(%run_scoped3A : memref<!tpu.dma_semaphore, #tpu.memory_space<semaphore_mem>>) src(%dma_wait3A_58 : memref<48x128xi32, #tpu.memory_space<hbm>>) dst(%dma_wait3A_54 : memref<48x128xi32, #tpu.memory_space<vmem>>)
        tpu.yield
      }) : () -> ()
    } else {
    }
    %eq3A_7 = arith.constant 0 : i32
    %eq3A_8 = arith.cmpi eq, %arg0, %eq3A_7 : i32
    %jit3A = arith.constant 110 : i32
    %jit3A_9 = arith.constant 48 : i32
    %select_n3A = arith.select %eq3A_8, %jit3A, %jit3A_9 : i32
    %broadcast_in_dim3A = arith.constant 0.000000e+00 : f32
    %broadcast_in_dim3A_10 = vector.broadcast %broadcast_in_dim3A : f32 to vector<16xf32>
    %scan3A = arith.constant 0 : i32
    %scan3A_11 = arith.constant 0 : i32
    %scan3A_12 = arith.constant 128 : i32
    %scan3A_13 = arith.addi %scan3A_11, %scan3A_12 : i32
    %scan3A_14 = arith.constant 1 : i32
    scf.for %scan3A_33 = %scan3A_11 to %scan3A_13 step %scan3A_14  : i32 {
      %swap3A = arith.index_cast %scan3A_33 : i32 to index
      %swap3A_34 = arith.constant 0 : index
      %swap3A_35 = tpu.vector_load %arg10[%swap3A, %swap3A_34] {strides = array<i32>} : memref<128x128xf32, #tpu.memory_space<vmem>>, vector<1x16xf32>,
      %swap3A_36 = vector.shape_cast %swap3A_35 : vector<1x16xf32> to vector<16xf32>
      %swap3A_37 = vector.shape_cast %broadcast_in_dim3A_10 : vector<16xf32> to vector<1x16xf32>
      tpu.vector_store %arg10[%swap3A, %swap3A_34], %swap3A_37 {strides = array<i32>} : memref<128x128xf32, #tpu.memory_space<vmem>>, vector<1x16xf32>,
      %swap3A_38 = arith.index_cast %scan3A_33 : i32 to index
      %swap3A_39 = arith.constant 16 : index
      %swap3A_40 = tpu.vector_load %arg10[%swap3A_38, %swap3A_39] {strides = array<i32>} : memref<128x128xf32, #tpu.memory_space<vmem>>, vector<1x16xf32>,
      %swap3A_41 = vector.shape_cast %swap3A_40 : vector<1x16xf32> to vector<16xf32>
      %swap3A_42 = vector.shape_cast %broadcast_in_dim3A_10 : vector<16xf32> to vector<1x16xf32>
      tpu.vector_store %arg10[%swap3A_38, %swap3A_39], %swap3A_42 {strides = array<i32>} : memref<128x128xf32, #tpu.memory_space<vmem>>, vector<1x16xf32>,
      %swap3A_43 = arith.index_cast %scan3A_33 : i32 to index
      %swap3A_44 = arith.constant 32 : index
      %swap3A_45 = tpu.vector_load %arg10[%swap3A_43, %swap3A_44] {strides = array<i32>} : memref<128x128xf32, #tpu.memory_space<vmem>>, vector<1x16xf32>,
      %swap3A_46 = vector.shape_cast %swap3A_45 : vector<1x16xf32> to vector<16xf32>
      %swap3A_47 = vector.shape_cast %broadcast_in_dim3A_10 : vector<16xf32> to vector<1x16xf32>
      tpu.vector_store %arg10[%swap3A_43, %swap3A_44], %swap3A_47 {strides = array<i32>} : memref<128x128xf32, #tpu.memory_space<vmem>>, vector<1x16xf32>,
      %swap3A_48 = arith.index_cast %scan3A_33 : i32 to index
      %swap3A_49 = arith.constant 48 : index
      %swap3A_50 = tpu.vector_load %arg10[%swap3A_48, %swap3A_49] {strides = array<i32>} : memref<128x128xf32, #tpu.memory_space<vmem>>, vector<1x16xf32>,
      %swap3A_51 = vector.shape_cast %swap3A_50 : vector<1x16xf32> to vector<16xf32>
      %swap3A_52 = vector.shape_cast %broadcast_in_dim3A_10 : vector<16xf32> to vector<1x16xf32>
      tpu.vector_store %arg10[%swap3A_48, %swap3A_49], %swap3A_52 {strides = array<i32>} : memref<128x128xf32, #tpu.memory_space<vmem>>, vector<1x16xf32>,
      %swap3A_53 = arith.index_cast %scan3A_33 : i32 to index
      %swap3A_54 = arith.constant 64 : index
      %swap3A_55 = tpu.vector_load %arg10[%swap3A_53, %swap3A_54] {strides = array<i32>} : memref<128x128xf32, #tpu.memory_space<vmem>>, vector<1x16xf32>,
      %swap3A_56 = vector.shape_cast %swap3A_55 : vector<1x16xf32> to vector<16xf32>
      %swap3A_57 = vector.shape_cast %broadcast_in_dim3A_10 : vector<16xf32> to vector<1x16xf32>
      tpu.vector_store %arg10[%swap3A_53, %swap3A_54], %swap3A_57 {strides = array<i32>} : memref<128x128xf32, #tpu.memory_space<vmem>>, vector<1x16xf32>,
      %swap3A_58 = arith.index_cast %scan3A_33 : i32 to index
      %swap3A_59 = arith.constant 80 : index
      %swap3A_60 = tpu.vector_load %arg10[%swap3A_58, %swap3A_59] {strides = array<i32>} : memref<128x128xf32, #tpu.memory_space<vmem>>, vector<1x16xf32>,
      %swap3A_61 = vector.shape_cast %swap3A_60 : vector<1x16xf32> to vector<16xf32>
      %swap3A_62 = vector.shape_cast %broadcast_in_dim3A_10 : vector<16xf32> to vector<1x16xf32>
      tpu.vector_store %arg10[%swap3A_58, %swap3A_59], %swap3A_62 {strides = array<i32>} : memref<128x128xf32, #tpu.memory_space<vmem>>, vector<1x16xf32>,
      %swap3A_63 = arith.index_cast %scan3A_33 : i32 to index
      %swap3A_64 = arith.constant 96 : index
      %swap3A_65 = tpu.vector_load %arg10[%swap3A_63, %swap3A_64] {strides = array<i32>} : memref<128x128xf32, #tpu.memory_space<vmem>>, vector<1x16xf32>,
      %swap3A_66 = vector.shape_cast %swap3A_65 : vector<1x16xf32> to vector<16xf32>
      %swap3A_67 = vector.shape_cast %broadcast_in_dim3A_10 : vector<16xf32> to vector<1x16xf32>
      tpu.vector_store %arg10[%swap3A_63, %swap3A_64], %swap3A_67 {strides = array<i32>} : memref<128x128xf32, #tpu.memory_space<vmem>>, vector<1x16xf32>,
      %swap3A_68 = arith.index_cast %scan3A_33 : i32 to index
      %swap3A_69 = arith.constant 112 : index
      %swap3A_70 = tpu.vector_load %arg10[%swap3A_68, %swap3A_69] {strides = array<i32>} : memref<128x128xf32, #tpu.memory_space<vmem>>, vector<1x16xf32>,
      %swap3A_71 = vector.shape_cast %swap3A_70 : vector<1x16xf32> to vector<16xf32>
      %swap3A_72 = vector.shape_cast %broadcast_in_dim3A_10 : vector<16xf32> to vector<1x16xf32>
      tpu.vector_store %arg10[%swap3A_68, %swap3A_69], %swap3A_72 {strides = array<i32>} : memref<128x128xf32, #tpu.memory_space<vmem>>, vector<1x16xf32>,
    }
    %scan3A_15 = arith.constant 128 : i32
    %mul3A = arith.constant 640 : i32
    %mul3A_16 = arith.muli %arg1, %mul3A : i32
    %scan3A_17 = arith.constant 0 : i32
    %scan3A_18 = arith.constant 0 : i32
    %scan3A_19 = arith.constant 5 : i32
    %scan3A_20 = arith.addi %scan3A_18, %scan3A_19 : i32
    %scan3A_21 = arith.constant 1 : i32
    scf.for %scan3A_33 = %scan3A_18 to %scan3A_20 step %scan3A_21  : i32 {
      %mul3A_34 = arith.constant 128 : i32
      %mul3A_35 = arith.muli %scan3A_33, %mul3A_34 : i32
      %add3A = arith.addi %mul3A_16, %mul3A_35 : i32
      "tpu.region"() ({
        %run_scoped3A = tpu.sem_alloc : memref<!tpu.dma_semaphore, #tpu.memory_space<semaphore_mem>>
        %dma_start3A = arith.constant 0 : i32
        %dma_start3A_36 = tpu.memref_slice %arg11[%add3A, %dma_start3A] : memref<10240x128xf32, #tpu.memory_space<vmem_shared>> -> memref<128x128xf32, #tpu.memory_space<vmem_shared>>
        %dma_start3A_37 = arith.constant 0 : i32
        %dma_start3A_38 = tpu.memref_slice %arg11[%add3A, %dma_start3A_37] : memref<10240x128xf32, #tpu.memory_space<vmem_shared>> -> memref<128x128xf32, #tpu.memory_space<vmem_shared>>
        tpu.enqueue_dma source(%arg10 : memref<128x128xf32, #tpu.memory_space<vmem>>) target(%dma_start3A_38 : memref<128x128xf32, #tpu.memory_space<vmem_shared>>) target_semaphore(%run_scoped3A : memref<!tpu.dma_semaphore, #tpu.memory_space<semaphore_mem>>)
        %dma_wait3A = arith.constant 0 : i32
        %dma_wait3A_39 = tpu.memref_slice %arg11[%add3A, %dma_wait3A] : memref<10240x128xf32, #tpu.memory_space<vmem_shared>> -> memref<128x128xf32, #tpu.memory_space<vmem_shared>>
        %dma_wait3A_40 = arith.constant 0 : i32
        %dma_wait3A_41 = tpu.memref_slice %arg11[%add3A, %dma_wait3A_40] : memref<10240x128xf32, #tpu.memory_space<vmem_shared>> -> memref<128x128xf32, #tpu.memory_space<vmem_shared>>
        tpu.wait_dma2 semaphore(%run_scoped3A : memref<!tpu.dma_semaphore, #tpu.memory_space<semaphore_mem>>) src(%arg10 : memref<128x128xf32, #tpu.memory_space<vmem>>) dst(%dma_wait3A_41 : memref<128x128xf32, #tpu.memory_space<vmem_shared>>)
        tpu.yield
      }) : () -> ()
    }
    %scan3A_22 = arith.constant 5 : i32
    %barrier3A = arith.constant 0 : index
    tpu.barrier barrier_id(%barrier3A)
    %while3A = arith.constant 0 : i32
    %while3A_23 = arith.constant 0 : i32
    %while3A_24 = arith.subi %select_n3A, %while3A_23 : i32
    %while3A_25 = arith.addi %while3A_23, %while3A_24 : i32
    %while3A_26 = arith.constant 1 : i32
    %while3A_27 = arith.divsi %while3A_24, %while3A_26 : i32
    %while3A_28 = arith.muli %while3A_27, %while3A_26 : i32
    %while3A_29 = arith.addi %while3A_23, %while3A_28 : i32
    %while3A_30 = arith.constant 1 : i32
    scf.for %while3A_33 = %while3A_23 to %while3A_29 step %while3A_30  : i32 {
      %dma_start3A = arith.constant 0 : i32
      %dma_start3A_34 = tpu.memref_slice %arg8[%while3A_33, %dma_start3A] : memref<110x128xi32, #tpu.memory_space<vmem>> -> memref<1x128xi32, #tpu.memory_space<vmem>>
      %dma_start3A_35 = tpu.memref_squeeze %dma_start3A_34 : memref<1x128xi32, #tpu.memory_space<vmem>> -> memref<128xi32, #tpu.memory_space<vmem>>
      %dma_start3A_36 = arith.constant 0 : i32
      %dma_start3A_37 = arith.constant 0 : i32
      %dma_start3A_38 = tpu.memref_slice %arg2[%dma_start3A_36, %dma_start3A_37] : memref<10000x128xf32, #tpu.memory_space<hbm>> -> memref<10000x128xf32, #tpu.memory_space<hbm>>
      tpu.enqueue_indirect_dma source(%dma_start3A_38 : memref<10000x128xf32, #tpu.memory_space<hbm>>) target(%arg10 : memref<128x128xf32, #tpu.memory_space<vmem>>) offsets(%dma_start3A_35 : memref<128xi32, #tpu.memory_space<vmem>>) semaphore(%arg12 : memref<!tpu.dma_semaphore, #tpu.memory_space<semaphore_mem>>)
      %dma_wait3A = arith.constant 0 : i32
      %dma_wait3A_39 = tpu.memref_slice %arg8[%while3A_33, %dma_wait3A] : memref<110x128xi32, #tpu.memory_space<vmem>> -> memref<1x128xi32, #tpu.memory_space<vmem>>
      %dma_wait3A_40 = tpu.memref_squeeze %dma_wait3A_39 : memref<1x128xi32, #tpu.memory_space<vmem>> -> memref<128xi32, #tpu.memory_space<vmem>>
      %dma_wait3A_41 = arith.constant 0 : i32
      %dma_wait3A_42 = arith.constant 0 : i32
      %dma_wait3A_43 = tpu.memref_slice %arg2[%dma_wait3A_41, %dma_wait3A_42] : memref<10000x128xf32, #tpu.memory_space<hbm>> -> memref<10000x128xf32, #tpu.memory_space<hbm>>
      tpu.wait_indirect_dma semaphore(%arg12 : memref<!tpu.dma_semaphore, #tpu.memory_space<semaphore_mem>>) src(%dma_wait3A_43 : memref<10000x128xf32, #tpu.memory_space<hbm>>) dst(%arg10 : memref<128x128xf32, #tpu.memory_space<vmem>>)
      "tpu.region"() ({
        %run_scoped3A = tpu.sem_alloc : memref<!tpu.dma_semaphore, #tpu.memory_space<semaphore_mem>>
        %dma_start3A_44 = arith.constant 0 : i32
        %dma_start3A_45 = tpu.memref_slice %arg9[%while3A_33, %dma_start3A_44] : memref<110x128xi32, #tpu.memory_space<vmem>> -> memref<1x128xi32, #tpu.memory_space<vmem>>
        %dma_start3A_46 = tpu.memref_squeeze %dma_start3A_45 : memref<1x128xi32, #tpu.memory_space<vmem>> -> memref<128xi32, #tpu.memory_space<vmem>>
        %dma_start3A_47 = arith.constant 0 : i32
        %dma_start3A_48 = arith.constant 0 : i32
        %dma_start3A_49 = tpu.memref_slice %arg11[%dma_start3A_47, %dma_start3A_48] : memref<10240x128xf32, #tpu.memory_space<vmem_shared>> -> memref<10240x128xf32, #tpu.memory_space<vmem_shared>>
        tpu.enqueue_indirect_dma source(%arg10 : memref<128x128xf32, #tpu.memory_space<vmem>>) target(%dma_start3A_49 : memref<10240x128xf32, #tpu.memory_space<vmem_shared>>) offsets(%dma_start3A_46 : memref<128xi32, #tpu.memory_space<vmem>>) semaphore(%run_scoped3A : memref<!tpu.dma_semaphore, #tpu.memory_space<semaphore_mem>>) {add = true}
        %dma_wait3A_50 = arith.constant 0 : i32
        %dma_wait3A_51 = tpu.memref_slice %arg9[%while3A_33, %dma_wait3A_50] : memref<110x128xi32, #tpu.memory_space<vmem>> -> memref<1x128xi32, #tpu.memory_space<vmem>>
        %dma_wait3A_52 = tpu.memref_squeeze %dma_wait3A_51 : memref<1x128xi32, #tpu.memory_space<vmem>> -> memref<128xi32, #tpu.memory_space<vmem>>
        %dma_wait3A_53 = arith.constant 0 : i32
        %dma_wait3A_54 = arith.constant 0 : i32
        %dma_wait3A_55 = tpu.memref_slice %arg11[%dma_wait3A_53, %dma_wait3A_54] : memref<10240x128xf32, #tpu.memory_space<vmem_shared>> -> memref<10240x128xf32, #tpu.memory_space<vmem_shared>>
        tpu.wait_indirect_dma semaphore(%run_scoped3A : memref<!tpu.dma_semaphore, #tpu.memory_space<semaphore_mem>>) src(%arg10 : memref<128x128xf32, #tpu.memory_space<vmem>>) dst(%dma_wait3A_55 : memref<10240x128xf32, #tpu.memory_space<vmem_shared>>)
        tpu.yield
      }) : () -> ()
    }
    %while3A_31 = arith.constant 1 : i32
    scf.for %while3A_33 = %while3A_29 to %while3A_25 step %while3A_31  : i32 {
      %dma_start3A = arith.constant 0 : i32
      %dma_start3A_34 = tpu.memref_slice %arg8[%while3A_33, %dma_start3A] : memref<110x128xi32, #tpu.memory_space<vmem>> -> memref<1x128xi32, #tpu.memory_space<vmem>>
      %dma_start3A_35 = tpu.memref_squeeze %dma_start3A_34 : memref<1x128xi32, #tpu.memory_space<vmem>> -> memref<128xi32, #tpu.memory_space<vmem>>
      %dma_start3A_36 = arith.constant 0 : i32
      %dma_start3A_37 = arith.constant 0 : i32
      %dma_start3A_38 = tpu.memref_slice %arg2[%dma_start3A_36, %dma_start3A_37] : memref<10000x128xf32, #tpu.memory_space<hbm>> -> memref<10000x128xf32, #tpu.memory_space<hbm>>
      tpu.enqueue_indirect_dma source(%dma_start3A_38 : memref<10000x128xf32, #tpu.memory_space<hbm>>) target(%arg10 : memref<128x128xf32, #tpu.memory_space<vmem>>) offsets(%dma_start3A_35 : memref<128xi32, #tpu.memory_space<vmem>>) semaphore(%arg12 : memref<!tpu.dma_semaphore, #tpu.memory_space<semaphore_mem>>)
      %dma_wait3A = arith.constant 0 : i32
      %dma_wait3A_39 = tpu.memref_slice %arg8[%while3A_33, %dma_wait3A] : memref<110x128xi32, #tpu.memory_space<vmem>> -> memref<1x128xi32, #tpu.memory_space<vmem>>
      %dma_wait3A_40 = tpu.memref_squeeze %dma_wait3A_39 : memref<1x128xi32, #tpu.memory_space<vmem>> -> memref<128xi32, #tpu.memory_space<vmem>>
      %dma_wait3A_41 = arith.constant 0 : i32
      %dma_wait3A_42 = arith.constant 0 : i32
      %dma_wait3A_43 = tpu.memref_slice %arg2[%dma_wait3A_41, %dma_wait3A_42] : memref<10000x128xf32, #tpu.memory_space<hbm>> -> memref<10000x128xf32, #tpu.memory_space<hbm>>
      tpu.wait_indirect_dma semaphore(%arg12 : memref<!tpu.dma_semaphore, #tpu.memory_space<semaphore_mem>>) src(%dma_wait3A_43 : memref<10000x128xf32, #tpu.memory_space<hbm>>) dst(%arg10 : memref<128x128xf32, #tpu.memory_space<vmem>>)
      "tpu.region"() ({
        %run_scoped3A = tpu.sem_alloc : memref<!tpu.dma_semaphore, #tpu.memory_space<semaphore_mem>>
        %dma_start3A_44 = arith.constant 0 : i32
        %dma_start3A_45 = tpu.memref_slice %arg9[%while3A_33, %dma_start3A_44] : memref<110x128xi32, #tpu.memory_space<vmem>> -> memref<1x128xi32, #tpu.memory_space<vmem>>
        %dma_start3A_46 = tpu.memref_squeeze %dma_start3A_45 : memref<1x128xi32, #tpu.memory_space<vmem>> -> memref<128xi32, #tpu.memory_space<vmem>>
        %dma_start3A_47 = arith.constant 0 : i32
        %dma_start3A_48 = arith.constant 0 : i32
        %dma_start3A_49 = tpu.memref_slice %arg11[%dma_start3A_47, %dma_start3A_48] : memref<10240x128xf32, #tpu.memory_space<vmem_shared>> -> memref<10240x128xf32, #tpu.memory_space<vmem_shared>>
        tpu.enqueue_indirect_dma source(%arg10 : memref<128x128xf32, #tpu.memory_space<vmem>>) target(%dma_start3A_49 : memref<10240x128xf32, #tpu.memory_space<vmem_shared>>) offsets(%dma_start3A_46 : memref<128xi32, #tpu.memory_space<vmem>>) semaphore(%run_scoped3A : memref<!tpu.dma_semaphore, #tpu.memory_space<semaphore_mem>>) {add = true}
        %dma_wait3A_50 = arith.constant 0 : i32
        %dma_wait3A_51 = tpu.memref_slice %arg9[%while3A_33, %dma_wait3A_50] : memref<110x128xi32, #tpu.memory_space<vmem>> -> memref<1x128xi32, #tpu.memory_space<vmem>>
        %dma_wait3A_52 = tpu.memref_squeeze %dma_wait3A_51 : memref<1x128xi32, #tpu.memory_space<vmem>> -> memref<128xi32, #tpu.memory_space<vmem>>
        %dma_wait3A_53 = arith.constant 0 : i32
        %dma_wait3A_54 = arith.constant 0 : i32
        %dma_wait3A_55 = tpu.memref_slice %arg11[%dma_wait3A_53, %dma_wait3A_54] : memref<10240x128xf32, #tpu.memory_space<vmem_shared>> -> memref<10240x128xf32, #tpu.memory_space<vmem_shared>>
        tpu.wait_indirect_dma semaphore(%run_scoped3A : memref<!tpu.dma_semaphore, #tpu.memory_space<semaphore_mem>>) src(%arg10 : memref<128x128xf32, #tpu.memory_space<vmem>>) dst(%dma_wait3A_55 : memref<10240x128xf32, #tpu.memory_space<vmem_shared>>)
        tpu.yield
      }) : () -> ()
    }
    %barrier3A_32 = arith.constant 0 : index
    tpu.barrier barrier_id(%barrier3A_32)
    "tpu.region"() ({
      %run_scoped3A = tpu.sem_alloc : memref<!tpu.dma_semaphore, #tpu.memory_space<semaphore_mem>>
      %dma_start3A = arith.constant 0 : i32
      %dma_start3A_33 = arith.constant 0 : i32
      %dma_start3A_34 = tpu.memref_slice %arg7[%arg0, %dma_start3A, %dma_start3A_33] : memref<2x10240x128xf32, #tpu.memory_space<hbm>> -> memref<1x10240x128xf32, #tpu.memory_space<hbm>>
      %dma_start3A_35 = tpu.memref_squeeze %dma_start3A_34 : memref<1x10240x128xf32, #tpu.memory_space<hbm>> -> memref<10240x128xf32, #tpu.memory_space<hbm>>
      %dma_start3A_36 = arith.constant 0 : i32
      %dma_start3A_37 = tpu.memref_slice %dma_start3A_35[%mul3A_16, %dma_start3A_36] : memref<10240x128xf32, #tpu.memory_space<hbm>> -> memref<640x128xf32, #tpu.memory_space<hbm>>
      %dma_start3A_38 = arith.constant 0 : i32
      %dma_start3A_39 = tpu.memref_slice %arg11[%mul3A_16, %dma_start3A_38] : memref<10240x128xf32, #tpu.memory_space<vmem_shared>> -> memref<640x128xf32, #tpu.memory_space<vmem_shared>>
      tpu.enqueue_dma source(%dma_start3A_39 : memref<640x128xf32, #tpu.memory_space<vmem_shared>>) target(%dma_start3A_37 : memref<640x128xf32, #tpu.memory_space<hbm>>) target_semaphore(%run_scoped3A : memref<!tpu.dma_semaphore, #tpu.memory_space<semaphore_mem>>)
      %dma_wait3A = arith.constant 0 : i32
      %dma_wait3A_40 = arith.constant 0 : i32
      %dma_wait3A_41 = tpu.memref_slice %arg7[%arg0, %dma_wait3A, %dma_wait3A_40] : memref<2x10240x128xf32, #tpu.memory_space<hbm>> -> memref<1x10240x128xf32, #tpu.memory_space<hbm>>
      %dma_wait3A_42 = tpu.memref_squeeze %dma_wait3A_41 : memref<1x10240x128xf32, #tpu.memory_space<hbm>> -> memref<10240x128xf32, #tpu.memory_space<hbm>>
      %dma_wait3A_43 = arith.constant 0 : i32
      %dma_wait3A_44 = tpu.memref_slice %dma_wait3A_42[%mul3A_16, %dma_wait3A_43] : memref<10240x128xf32, #tpu.memory_space<hbm>> -> memref<640x128xf32, #tpu.memory_space<hbm>>
      %dma_wait3A_45 = arith.constant 0 : i32
      %dma_wait3A_46 = tpu.memref_slice %arg11[%mul3A_16, %dma_wait3A_45] : memref<10240x128xf32, #tpu.memory_space<vmem_shared>> -> memref<640x128xf32, #tpu.memory_space<vmem_shared>>
      tpu.wait_dma2 semaphore(%run_scoped3A : memref<!tpu.dma_semaphore, #tpu.memory_space<semaphore_mem>>) src(%dma_wait3A_46 : memref<640x128xf32, #tpu.memory_space<vmem_shared>>) dst(%dma_wait3A_44 : memref<640x128xf32, #tpu.memory_space<hbm>>)
      tpu.yield
    }) : () -> ()
    return
  }
}

module attributes {stable_mosaic.version = 14 : i64} {
  func.func @_dense_body(%arg0: i32, %arg1: memref<2x2000x128xf32, #tpu.memory_space<vmem>>, %arg2: memref<2000x128xf32, #tpu.memory_space<vmem>>, %arg3: memref<128x128xf32, #tpu.memory_space<vmem>>, %arg4: memref<128x128xf32, #tpu.memory_space<vmem>>, %arg5: memref<1x128xf32, #tpu.memory_space<vmem>>, %arg6: memref<2000x128xf32, #tpu.memory_space<vmem>>) attributes {dimension_semantics = [#tpu.dimension_semantics<arbitrary>], iteration_bounds = array<i64: 5>, scalar_prefetch = 0 : i64, scratch_operands = 0 : i64, tpu.core_type = #tpu.core_type<tc>, window_params = [{transform_indices = @transform_0, window_bounds = array<i64: 2, 2000, 128>}, {transform_indices = @transform_1, window_bounds = array<i64: 2000, 128>}, {pipeline_mode = #tpu.pipeline_mode<synchronous>, transform_indices = @transform_2, window_bounds = array<i64: 128, 128>}, {pipeline_mode = #tpu.pipeline_mode<synchronous>, transform_indices = @transform_3, window_bounds = array<i64: 128, 128>}, {pipeline_mode = #tpu.pipeline_mode<synchronous>, transform_indices = @transform_4, window_bounds = array<i64: 1, 128>}, {transform_indices = @transform_5, window_bounds = array<i64: 2000, 128>}]} {
    %get3A = arith.constant 0 : index
    %get3A_0 = arith.constant 0 : index
    %get3A_1 = arith.constant 0 : index
    %get3A_2 = vector.load %arg1[%get3A, %get3A_0, %get3A_1] : memref<2x2000x128xf32, #tpu.memory_space<vmem>>, vector<1x2000x128xf32>
    %get3A_3 = vector.shape_cast %get3A_2 : vector<1x2000x128xf32> to vector<2000x128xf32>
    %get3A_4 = arith.constant 1 : index
    %get3A_5 = arith.constant 0 : index
    %get3A_6 = arith.constant 0 : index
    %get3A_7 = vector.load %arg1[%get3A_4, %get3A_5, %get3A_6] : memref<2x2000x128xf32, #tpu.memory_space<vmem>>, vector<1x2000x128xf32>
    %get3A_8 = vector.shape_cast %get3A_7 : vector<1x2000x128xf32> to vector<2000x128xf32>
    %add3A = arith.addf %get3A_3, %get3A_8 : vector<2000x128xf32>
    %get3A_9 = arith.constant 0 : index
    %get3A_10 = arith.constant 0 : index
    %get3A_11 = vector.load %arg3[%get3A_9, %get3A_10] : memref<128x128xf32, #tpu.memory_space<vmem>>, vector<128x128xf32>
    %dot_general3A = arith.constant dense<0.000000e+00> : vector<2000x128xf32>
    %dot_general3A_12 = tpu.matmul %add3A, %get3A_11, %dot_general3A {dimension_numbers = #tpu.dot_dimension_numbers<[1], [0], [0], [1], [0, 0, 1, 1], [], []>, transpose_lhs_hint = false} : vector<2000x128xf32>, vector<128x128xf32>, vector<2000x128xf32> -> vector<2000x128xf32>
    %get3A_13 = arith.constant 0 : index
    %get3A_14 = arith.constant 0 : index
    %get3A_15 = vector.load %arg2[%get3A_13, %get3A_14] : memref<2000x128xf32, #tpu.memory_space<vmem>>, vector<2000x128xf32>
    %get3A_16 = arith.constant 0 : index
    %get3A_17 = arith.constant 0 : index
    %get3A_18 = vector.load %arg4[%get3A_16, %get3A_17] : memref<128x128xf32, #tpu.memory_space<vmem>>, vector<128x128xf32>
    %dot_general3A_19 = arith.constant dense<0.000000e+00> : vector<2000x128xf32>
    %dot_general3A_20 = tpu.matmul %get3A_15, %get3A_18, %dot_general3A_19 {dimension_numbers = #tpu.dot_dimension_numbers<[1], [0], [0], [1], [0, 0, 1, 1], [], []>, transpose_lhs_hint = false} : vector<2000x128xf32>, vector<128x128xf32>, vector<2000x128xf32> -> vector<2000x128xf32>
    %add3A_21 = arith.addf %dot_general3A_12, %dot_general3A_20 : vector<2000x128xf32>
    %get3A_22 = arith.constant 0 : index
    %get3A_23 = arith.constant 0 : index
    %get3A_24 = vector.load %arg5[%get3A_22, %get3A_23] : memref<1x128xf32, #tpu.memory_space<vmem>>, vector<1x128xf32>
    %add3A_25 = vector.broadcast %get3A_24 : vector<1x128xf32> to vector<2000x128xf32>
    %add3A_26 = arith.addf %add3A_21, %add3A_25 : vector<2000x128xf32>
    %max3A = arith.constant 0.000000e+00 : f32
    %max3A_27 = vector.broadcast %max3A : f32 to vector<2000x128xf32>
    %max3A_28 = arith.maximumf %add3A_26, %max3A_27 : vector<2000x128xf32>
    %swap3A = arith.constant 0 : index
    %swap3A_29 = arith.constant 0 : index
    %swap3A_30 = vector.load %arg6[%swap3A, %swap3A_29] : memref<2000x128xf32, #tpu.memory_space<vmem>>, vector<2000x128xf32>
    tpu.vector_store %arg6[%swap3A, %swap3A_29], %max3A_28 {strides = array<i32>} : memref<2000x128xf32, #tpu.memory_space<vmem>>, vector<2000x128xf32>,
    return
  }
  func.func @transform_0(%arg0: i32) -> (i32, i32, i32) {
    %c0_i32 = arith.constant 0 : i32
    %c0_i32_0 = arith.constant 0 : i32
    %c0_i32_1 = arith.constant 0 : i32
    return %c0_i32, %arg0, %c0_i32_0 : i32, i32, i32
  }
  func.func @transform_1(%arg0: i32) -> (i32, i32) {
    %c0_i32 = arith.constant 0 : i32
    %c0_i32_0 = arith.constant 0 : i32
    return %arg0, %c0_i32 : i32, i32
  }
  func.func @transform_2(%arg0: i32) -> (i32, i32) {
    %c0_i32 = arith.constant 0 : i32
    %c0_i32_0 = arith.constant 0 : i32
    %c0_i32_1 = arith.constant 0 : i32
    return %c0_i32, %c0_i32_0 : i32, i32
  }
  func.func @transform_3(%arg0: i32) -> (i32, i32) {
    %c0_i32 = arith.constant 0 : i32
    %c0_i32_0 = arith.constant 0 : i32
    %c0_i32_1 = arith.constant 0 : i32
    return %c0_i32, %c0_i32_0 : i32, i32
  }
  func.func @transform_4(%arg0: i32) -> (i32, i32) {
    %c0_i32 = arith.constant 0 : i32
    %c0_i32_0 = arith.constant 0 : i32
    %c0_i32_1 = arith.constant 0 : i32
    return %c0_i32, %c0_i32_0 : i32, i32
  }
  func.func @transform_5(%arg0: i32) -> (i32, i32) {
    %c0_i32 = arith.constant 0 : i32
    %c0_i32_0 = arith.constant 0 : i32
    return %arg0, %c0_i32 : i32, i32
  }
}

module attributes {stable_mosaic.version = 14 : i64} {
  func.func @_dense_body(%arg0: i32, %arg1: memref<2x2000x128xf32, #tpu.memory_space<vmem>>, %arg2: memref<2000x128xf32, #tpu.memory_space<vmem>>, %arg3: memref<128x128xf32, #tpu.memory_space<vmem>>, %arg4: memref<128x128xf32, #tpu.memory_space<vmem>>, %arg5: memref<1x128xf32, #tpu.memory_space<vmem>>, %arg6: memref<2000x128xf32, #tpu.memory_space<vmem>>) attributes {dimension_semantics = [#tpu.dimension_semantics<arbitrary>], iteration_bounds = array<i64: 5>, scalar_prefetch = 0 : i64, scratch_operands = 0 : i64, tpu.core_type = #tpu.core_type<tc>, window_params = [{transform_indices = @transform_0, window_bounds = array<i64: 2, 2000, 128>}, {transform_indices = @transform_1, window_bounds = array<i64: 2000, 128>}, {pipeline_mode = #tpu.pipeline_mode<synchronous>, transform_indices = @transform_2, window_bounds = array<i64: 128, 128>}, {pipeline_mode = #tpu.pipeline_mode<synchronous>, transform_indices = @transform_3, window_bounds = array<i64: 128, 128>}, {pipeline_mode = #tpu.pipeline_mode<synchronous>, transform_indices = @transform_4, window_bounds = array<i64: 1, 128>}, {transform_indices = @transform_5, window_bounds = array<i64: 2000, 128>}]} {
    %get3A = arith.constant 0 : index
    %get3A_0 = arith.constant 0 : index
    %get3A_1 = arith.constant 0 : index
    %get3A_2 = vector.load %arg1[%get3A, %get3A_0, %get3A_1] : memref<2x2000x128xf32, #tpu.memory_space<vmem>>, vector<1x2000x128xf32>
    %get3A_3 = vector.shape_cast %get3A_2 : vector<1x2000x128xf32> to vector<2000x128xf32>
    %get3A_4 = arith.constant 1 : index
    %get3A_5 = arith.constant 0 : index
    %get3A_6 = arith.constant 0 : index
    %get3A_7 = vector.load %arg1[%get3A_4, %get3A_5, %get3A_6] : memref<2x2000x128xf32, #tpu.memory_space<vmem>>, vector<1x2000x128xf32>
    %get3A_8 = vector.shape_cast %get3A_7 : vector<1x2000x128xf32> to vector<2000x128xf32>
    %add3A = arith.addf %get3A_3, %get3A_8 : vector<2000x128xf32>
    %get3A_9 = arith.constant 0 : index
    %get3A_10 = arith.constant 0 : index
    %get3A_11 = vector.load %arg3[%get3A_9, %get3A_10] : memref<128x128xf32, #tpu.memory_space<vmem>>, vector<128x128xf32>
    %dot_general3A = arith.constant dense<0.000000e+00> : vector<2000x128xf32>
    %dot_general3A_12 = tpu.matmul %add3A, %get3A_11, %dot_general3A {dimension_numbers = #tpu.dot_dimension_numbers<[1], [0], [0], [1], [0, 0, 1, 1], [], []>, transpose_lhs_hint = false} : vector<2000x128xf32>, vector<128x128xf32>, vector<2000x128xf32> -> vector<2000x128xf32>
    %get3A_13 = arith.constant 0 : index
    %get3A_14 = arith.constant 0 : index
    %get3A_15 = vector.load %arg2[%get3A_13, %get3A_14] : memref<2000x128xf32, #tpu.memory_space<vmem>>, vector<2000x128xf32>
    %get3A_16 = arith.constant 0 : index
    %get3A_17 = arith.constant 0 : index
    %get3A_18 = vector.load %arg4[%get3A_16, %get3A_17] : memref<128x128xf32, #tpu.memory_space<vmem>>, vector<128x128xf32>
    %dot_general3A_19 = arith.constant dense<0.000000e+00> : vector<2000x128xf32>
    %dot_general3A_20 = tpu.matmul %get3A_15, %get3A_18, %dot_general3A_19 {dimension_numbers = #tpu.dot_dimension_numbers<[1], [0], [0], [1], [0, 0, 1, 1], [], []>, transpose_lhs_hint = false} : vector<2000x128xf32>, vector<128x128xf32>, vector<2000x128xf32> -> vector<2000x128xf32>
    %add3A_21 = arith.addf %dot_general3A_12, %dot_general3A_20 : vector<2000x128xf32>
    %get3A_22 = arith.constant 0 : index
    %get3A_23 = arith.constant 0 : index
    %get3A_24 = vector.load %arg5[%get3A_22, %get3A_23] : memref<1x128xf32, #tpu.memory_space<vmem>>, vector<1x128xf32>
    %add3A_25 = vector.broadcast %get3A_24 : vector<1x128xf32> to vector<2000x128xf32>
    %add3A_26 = arith.addf %add3A_21, %add3A_25 : vector<2000x128xf32>
    %swap3A = arith.constant 0 : index
    %swap3A_27 = arith.constant 0 : index
    %swap3A_28 = vector.load %arg6[%swap3A, %swap3A_27] : memref<2000x128xf32, #tpu.memory_space<vmem>>, vector<2000x128xf32>
    tpu.vector_store %arg6[%swap3A, %swap3A_27], %add3A_26 {strides = array<i32>} : memref<2000x128xf32, #tpu.memory_space<vmem>>, vector<2000x128xf32>,
    return
  }
  func.func @transform_0(%arg0: i32) -> (i32, i32, i32) {
    %c0_i32 = arith.constant 0 : i32
    %c0_i32_0 = arith.constant 0 : i32
    %c0_i32_1 = arith.constant 0 : i32
    return %c0_i32, %arg0, %c0_i32_0 : i32, i32, i32
  }
  func.func @transform_1(%arg0: i32) -> (i32, i32) {
    %c0_i32 = arith.constant 0 : i32
    %c0_i32_0 = arith.constant 0 : i32
    return %arg0, %c0_i32 : i32, i32
  }
  func.func @transform_2(%arg0: i32) -> (i32, i32) {
    %c0_i32 = arith.constant 0 : i32
    %c0_i32_0 = arith.constant 0 : i32
    %c0_i32_1 = arith.constant 0 : i32
    return %c0_i32, %c0_i32_0 : i32, i32
  }
  func.func @transform_3(%arg0: i32) -> (i32, i32) {
    %c0_i32 = arith.constant 0 : i32
    %c0_i32_0 = arith.constant 0 : i32
    %c0_i32_1 = arith.constant 0 : i32
    return %c0_i32, %c0_i32_0 : i32, i32
  }
  func.func @transform_4(%arg0: i32) -> (i32, i32) {
    %c0_i32 = arith.constant 0 : i32
    %c0_i32_0 = arith.constant 0 : i32
    %c0_i32_1 = arith.constant 0 : i32
    return %c0_i32, %c0_i32_0 : i32, i32
  }
  func.func @transform_5(%arg0: i32) -> (i32, i32) {
    %c0_i32 = arith.constant 0 : i32
    %c0_i32_0 = arith.constant 0 : i32
    return %arg0, %c0_i32 : i32, i32
  }
}

</mosaic_0001>

<sc_bundles>
// kernel: kernel.6.cloned.1.call-start
scs
__scs_entry_jumppad:
0x0: {  	(pc) =	sbr.rel $0x88, $3  }
0x1: {  	(tag) =	ssettag $0x0;
	lr =	simm.s32 $0x1  }
0x2: {  	[smem:$0x3F99] =	sst lr;
	_ =	strace $0xD0000000  }
0x3: {  	_ = 	snop  }
0x4: {  	_ = 	snop  }
0x5: {  	_ = 	snop  }
0x6: {  	_ = 	snop  }
0x7: {  	_ = 	snop  }
__scs_overlays_trampoline_lowered:
0x8: {  	[smem:$0x3FA8] =	sst s0  }
0x9: {  	[smem:$0x3FA9] =	sst s1  }
0xa: {  	[smem:$0x3FAA] =	sst s2  }
0xb: {  	[smem:$0x3FAB] =	sst s3  }
0xc: {  	[smem:$0x3FAC] =	sst s4  }
0xd: {  	[smem:$0x3FAD] =	sst s5  }
0xe: {  	[smem:$0x3FAE] =	sst s6  }
0xf: {  	[smem:$0x3FAF] =	sst s7  }
0x10: {  	[smem:$0x3FB0] =	sst s8  }
0x11: {  	[smem:$0x3FB1] =	sst s9;
	s0 =	simm.s32 @!p0 $0x0  }
0x12: {  	s1 =	sld [smem:$0x3F97];
	s0 =	simm.s32 @p0 $0x1  }
0x13: {  	[smem:$0x3FB2] =	sst s0;
	s0 =	simm.s32 @!p1 $0x0  }
0x14: {  	s2 =	sld [smem:$0x3F96];
	s0 =	simm.s32 @p1 $0x1  }
0x15: {  	[smem:$0x3FB3] =	sst s0;
	s0 =	simm.s32 @!p2 $0x0  }
0x16: {  	s3 =	sld [smem:$0x3FDB];
	s0 =	simm.s32 @p2 $0x1  }
0x17: {  	s4 =	simm.s32 $0x1BF5;
	[smem:$0x3FB5] =	sst s0  }
0x18: {  	s0 =	sld [smem:$0x3F98];
	_ =	swait.ge [sflag:s4], $0x0  }
0x19: {  	s7 =	sld [smem:$0x3F99]  }
0x1a: {  	s8 =	sadd.s32 $0xFFFFE003, lr  }
0x1b: {  	s9 =	sadd.s32 $0xFFFFFEF7, lr;
	s5 =	simm.s32 $0xFFFFFFFF;
	p2 =	slt.u32 s8, $0xFFFFF086  }
0x1c: {  	p1 =	slt.u32 s9, $0xF7A;
	s5 =	simm.s32 @!p2 $0x0  }
0x1d: {  	s5 =	simm.s32 @p1 $0x1;
	p0 =	seq.s32 s7, s2  }
0x1e: {  	s7 =	smul.u32 @!p0 $0xF7A, s2;
	p2 =	seq.s32 @!p0 s5, $0x0  }
0x1f: {  	s9 =	smul.u32 $0xF7A, s1;
	s8 =	simm.s32 @!p0 $0x1BF5;
	p2 =	por !p2, p0  }
0x20: {  	[sflag:s8] =	ssyncset.s32 @!p0 $0xFFFFF086;
	s6 =	sadd.s32 @!p0 s3, s7;
	s7 =	simm.s32 @!p0 $0x108  }
0x21: {  	s3 =	sadd.s32 s3, s9;
	s6 =	sadd.s32 @!p0 $0x88, s6;
	s7 =	simm.s32 @p2 $0x1082  }
0x22: {  	[simem:s7], [sflag:s8] =	dma.local @!p0 [hbm:s6], $0xF7A  }
0x23: {  	s9 =	sor.u32 $0xD0000000, s2;
	s6 =	simm.s32 $0x108;
	_ =	swait.ge @!p0 [sflag:s8], $0x0  }
0x24: {  	s3 =	sadd.s32 $0x88, s3;
	s6 =	simm.s32 @!p1 $0x1082;
	[sflag:s4] =	ssyncset.s32 $0xFFFFF086  }
0x25: {  	[simem:s6], [sflag:s4] =	dma.local [hbm:s3], $0xF7A  }
0x26: {  	[smem:$0x3F99] =	sst s1;
	(tag) =	ssettag s2;
	_ =	strace s9  }
0x27: {  	s1 =	sld [smem:$0x3FA9]  }
0x28: {  	s2 =	sld [smem:$0x3FAA]  }
0x29: {  	s4 =	sld [smem:$0x3FAC]  }
0x2a: {  	p0 =	seq.s32 s5, $0x0;
	s5 =	sld [smem:$0x3FAD]  }
0x2b: {  	s6 =	sld [smem:$0x3FAE]  }
0x2c: {  	s7 =	sld [smem:$0x3FAF]  }
0x2d: {  	s3 =	simm.s32 $0x108;
	s8 =	sld [smem:$0x3FB0]  }
0x2e: {  	s3 =	simm.s32 @!p0 $0x1082;
	s9 =	sld [smem:$0x3FB1]  }
0x2f: {  	lr =	sadd.s32 s0, s3;
	s0 =	sld [smem:$0x3FA8]  }
0x30: {  	s3 =	sld [smem:$0x3FAB]  }
0x31: {  	[smem:$0x3FB4] =	sst s10  }
0x32: {  	s10 =	sld [smem:$0x3FB2];
	_ =	sdelay $0x3  }
0x33: {  	p0 =	seq.s32 s10, $0x1;
	s10 =	sld [smem:$0x3FB4];
	_ =	sdelay $0x3  }
0x34: {  	[smem:$0x3FB4] =	sst s10  }
0x35: {  	s10 =	sld [smem:$0x3FB3];
	_ =	sdelay $0x3  }
0x36: {  	p1 =	seq.s32 s10, $0x1;
	s10 =	sld [smem:$0x3FB4];
	_ =	sdelay $0x3  }
0x37: {  	[smem:$0x3FB4] =	sst s10  }
0x38: {  	s10 =	sld [smem:$0x3FB5]  }
0x39: {  	_ = 	snop;
	(pc) =	sbr.ind lr, $3  }
0x3a: {  	_ = 	snop  }
0x3b: {  	_ = 	snop  }
0x3c: {  	p2 =	seq.s32 s10, $0x1;
	s10 =	sld [smem:$0x3FB4]  }
0x3d: {  	_ =	shalt  }
0x3e: {  	_ =	shalt  }
0x3f: {  	_ =	shalt  }
0x40: {  	_ =	shalt  }
0x41: {  	_ =	shalt  }
0x42: {  	_ =	shalt  }
0x43: {  	_ =	shalt  }
0x44: {  	_ =	shalt  }
0x45: {  	_ =	shalt  }
0x46: {  	_ =	shalt  }
0x47: {  	_ =	shalt  }
0x48: {  	_ =	shalt  }
0x49: {  	_ =	shalt  }
0x4a: {  	_ =	shalt  }
0x4b: {  	_ =	shalt  }
0x4c: {  	_ =	shalt  }
0x4d: {  	_ =	shalt  }
0x4e: {  	_ =	shalt  }
0x4f: {  	_ =	shalt  }
0x50: {  	_ =	shalt  }
0x51: {  	_ =	shalt  }
0x52: {  	_ =	shalt  }
0x53: {  	_ =	shalt  }
0x54: {  	_ =	shalt  }
0x55: {  	_ =	shalt  }
0x56: {  	_ =	shalt  }
0x57: {  	_ =	shalt  }
0x58: {  	_ =	shalt  }
0x59: {  	_ =	shalt  }
0x5a: {  	_ =	shalt  }
0x5b: {  	_ =	shalt  }
0x5c: {  	_ =	shalt  }
0x5d: {  	_ =	shalt  }
0x5e: {  	_ =	shalt  }
0x5f: {  	_ =	shalt  }
0x60: {  	_ =	shalt  }
0x61: {  	_ =	shalt  }
0x62: {  	_ =	shalt  }
0x63: {  	_ =	shalt  }
0x64: {  	_ =	shalt  }
0x65: {  	_ =	shalt  }
0x66: {  	_ =	shalt  }
0x67: {  	_ =	shalt  }
0x68: {  	_ =	shalt  }
0x69: {  	_ =	shalt  }
0x6a: {  	_ =	shalt  }
0x6b: {  	_ =	shalt  }
0x6c: {  	_ =	shalt  }
0x6d: {  	_ =	shalt  }
0x6e: {  	_ =	shalt  }
0x6f: {  	_ =	shalt  }
0x70: {  	_ =	shalt  }
0x71: {  	_ =	shalt  }
0x72: {  	_ =	shalt  }
0x73: {  	_ =	shalt  }
0x74: {  	_ =	shalt  }
0x75: {  	_ =	shalt  }
0x76: {  	_ =	shalt  }
0x77: {  	_ =	shalt  }
0x78: {  	_ =	shalt  }
0x79: {  	_ =	shalt  }
0x7a: {  	_ =	shalt  }
0x7b: {  	_ =	shalt  }
0x7c: {  	_ =	shalt  }
0x7d: {  	_ =	shalt  }
0x7e: {  	_ =	shalt  }
0x7f: {  	_ =	shalt  }
0x80: {  	_ =	shalt  }
0x81: {  	_ =	shalt  }
0x82: {  	_ =	shalt  }
0x83: {  	_ =	shalt  }
0x84: {  	_ =	shalt  }
0x85: {  	_ =	shalt  }
0x86: {  	_ =	shalt  }
0x87: {  	_ =	shalt  }
.Lfunc_end0:
.L_simem_size_0:
called_computation_lowered:
.L_overlay_start_0:
0x88: {  	s2 =	sld [smem:$0x3FD9]  }
0x89: {  	s3 =	sld [smem:$0x3FFE];
	_ =	sdelay $0x1  }
0x8a: {  	s1 =	srdreg.scid  }
0x8b: {  	s0 =	sand.u32 $0x1, s1  }
0x8c: {  	s17 =	sshll.u32 s0, $0xA;
	s2 =	sadd.s32 s3, s2  }
0x8d: {  	s2 =	sadd.s32 s2, s17  }
0x8e: {  	[smem:$0x3FC0] =	sst s2  }
0x8f: {  	_ = 	snop  }
0x90: {  	s2 =	sld [smem:$0x3FC9];
	(tm) =	ssettm $0x1  }
0x91: {  	s18 =	sld [smem:$0x3FFB];
	_ =	sdelay $0x3  }
0x92: {  	_ =	strace s18  }
0x93: {  	s3 =	sld [smem:$0x3FFC];
	_ =	sdelay $0x3  }
0x94: {  	_ =	strace s3  }
0x95: {  	s3 =	sld [smem:$0x3FFD];
	_ =	sdelay $0x3  }
0x96: {  	_ =	strace s3  }
0x97: {  	_ =	strace $0x8FFFFFFF  }
0x98: {  	s19 =	sld [smem:$0x3FDB];
	_ =	sdelay $0x1  }
0x99: {  	s4 =	simm.s32 $_scs_section_size  }
0x9a: {  	s5 =	simm.s32 $_size__tile_overlayer_lowered;
	s6 =	simm.s32 $_tile_overlayer_lowered  }
0x9b: {  	s22 =	simm.s32 $0x1BFF;
	s21 =	sshll.u32 s6, $0x1;
	s3 =	sadd.s32 s4, s19  }
0x9c: {  	s7 =	simm.s32 $0x0;
	s20 =	sshll.u32 s5, $0x1;
	s5 =	sadd.s32 s21, s3  }
0x9d: {  	[timem:s7], [sflag:s22] =	dma.local [hbm:s5], s20  }
0x9e: {  	_ =	swait.ge [sflag:s22], s20  }
0x9f: {  	s4 =	ssub.s32 $0x0, s20;
	[sflag:s22] =	ssyncset.done $0x0  }
0xa0: {  	[sflag:s22] =	ssyncadd.s32 s4;
	_ =	sdelay $0x1  }
0xa1: {  	s23 =	simm.s32 $0x1B8B  }
0xa2: {  	_ =	swait.ge [sflag:s23], $0x1  }
0xa3: {  	[sflag:s23] =	ssyncset.done $0x0  }
0xa4: {  	s25 =	simm.s32 $0x1B8E;
	s24 =	sld [smem:$0x3FFE];
	[sflag:s23] =	ssyncadd.s32 $0xFFFFFFFF  }
0xa5: {  	s26 =	simm.s32 $execute0_lowered;
	[smem:$0x3FD2] =	sst s25  }
0xa6: {  	s5 =	sshll.u32 s26, $0x1;
	_ =	strace $0x80000046;
	[dreg:$0x1] =	wrdreg $0xFFFFFFFF  }
0xa7: {  	s28 =	simm.s32 $_size_execute0_lowered;
	s3 =	sadd.s32 s3, s5;
	[dreg:$0x0] =	wrdreg $0x0  }
0xa8: {  	s5 =	sshll.u32 s28, $0x1;
	[dreg:$0x2] =	wrdreg s3  }
0xa9: {  	[dreg:$0x3] =	wrdreg s5  }
0xaa: {  	[dreg:$0x4] =	wrdreg $0xC0  }
0xab: {  	_ =	task [dreg:s7], $0x5FFFF  }
0xac: {  	[dreg:$0x1] =	wrdreg $0xFFFFFFFF  }
0xad: {  	[dreg:$0x0] =	wrdreg $0x60  }
0xae: {  	[dreg:$0x2] =	wrdreg s2  }
0xaf: {  	[dreg:$0x3] =	wrdreg s24  }
0xb0: {  	[dreg:$0x4] =	wrdreg $0xB0000  }
0xb1: {  	[dreg:$0x5] =	wrdreg $0x9  }
0xb2: {  	_ =	task.clear_ibuf [dreg:s7], $0x6FFFF;
	_ =	strace $0x90000046  }
0xb3: {  	s29 =	simm.s32 $0x9;
	_ =	strace $0x80000048  }
0xb4: {  	_ =	swait.ge [sflag:s29], $0x1  }
0xb5: {  	[sflag:s29] =	ssyncadd.s32 $0xFFFFFFFF  }
0xb6: {  	_ =	strace $0x90000048  }
0xb7: {  	_ =	sfence  }
0xb8: {  	s30 =	sld [smem:$0x0];
	_ =	sdelay $0x2  }
0xb9: {  	s31 =	sshll.u32 s1, $0xD;
	s1 =	sshrl.u32 s1, $0x2  }
0xba: {  	s3 =	sand.u32 $0x4000, s31;
	s1 =	sadd.s32 s1, s30  }
0xbb: {  	s0 =	sor.u32 s3, s0;
	s1 =	sshll.u32 s1, $0x11  }
0xbc: {  	s0 =	sor.u32 s1, s0  }
0xbd: {  	s0 =	sadd.s32 $0x8F2B, s0  }
0xbe: {  	[sflag:s0] =	ssyncadd.remote.s32 $0x1  }
0xbf: {  	_ =	sfence.sel $0xFFFF  }
0xc0: {  	[dreg:$0x0] =	wrdreg $0xFFFFFFFF;
	(pc) =	sbr.abs _section_cstart, $3  }
0xc1: {  	[dreg:$0x1] =	wrdreg $0xFFFFFFFF  }
0xc2: {  	_ =	task.clear_ibuf [dreg:s7], $0x2FFFF;
	_ =	strace $0x9FFFFFFF  }
0xc3: {  	(tm) =	ssettm $0x7FFFFFFF  }
tec
execute0_lowered:
.L_overlay_start_1:
0x0: {  	(tag) =	ssettag $0x1  }
0x1: {  	s1 =	rddreg [dreg:$0x0]  }
0x2: {  	s5 =	rddreg [dreg:$0x1]  }
0x3: {  	s3 =	rddreg [dreg:$0x2];
	s2 =	stileid.u32  }
0x4: {  	s0 =	rddreg [dreg:$0x3];
	s6 =	smul.u32 $0x700, s2  }
0x5: {  	s4 =	simm.s32 $0x0;
	s7 =	srdreg.scid;
	s8 =	smul.u32 $0x300, s2  }
0x6: {  	s16 =	simm.s32 $0x2;
	s17 =	simm.s32 $0x80;
	s11 =	smul.u32 $0x50000, s2  }
0x7: {  	[smem:$0x7FF] =	sst s4;
	s15 =	sand.u32 $0x1, s7;
	s20 =	smul.u32 $0x2800, s2  }
0x8: {  	s18 =	simm.s32 $0x1;
	_ =	strace $0x80000047;
	s31 =	smul.u32 $0x28000, s15  }
0x9: {  	s7 =	ssub.s32 $0x2, s15;
	p0 =	sne.s32 s15, $0x0;
	s15 =	simm.s32 $0x7000  }
0xa: {  	s9 =	sadd.s32 s6, s5;
	s8 =	sadd.s32 s8, s5;
	s10 =	sshrl.u32 s7, $0x1  }
0xb: {  	s11 =	sshrl.u32 s11, $0x2;
	s12 =	sadd.s32 s31, s5;
	s10 =	ssub.s32 s7, s10  }
0xc: {  	s5 =	sadd.s32 $0x12600, s8;
	s6 =	sadd.s32 $0xF600, s8;
	s7 =	sadd.s32 $0x8600, s9  }
0xd: {  	s8 =	sadd.s32 $0x1600, s9;
	s9 =	sadd.s32 s11, s3;
	s19 =	sadd.s32 $0x15600, s12  }
0xe: {  	s10 =	smax.u32 s10, $0x1;
	s11 =	sadd.s32 $0x4000, s9;
	s12 =	sadd.s32 $0x8000, s9  }
0xf: {  	v0 =	vimm.f32 $0.0e+00;
	s13 =	sadd.s32 $0xC000, s9;
	s14 =	sadd.s32 $0x10000, s9;
	s19 =	sadd.s32 s20, s19  }
.LBB2_1:
0x10: {  	s20 =	simm.s32 @p0 $0x0;
	s21 =	simm.s32 @p0 $0x2  }
0x11: {  	[tilespmem:s20], [sflag:$0x2] =	stream.linear.gather @p0 [hbm4b:s5+s20], $0x1800, $0x38;
	[tilespmem:$0x1F000] =	vst v63  }
0x12: {  	_ =	swait.ge @p0 [sflag:s21], $0x1800  }
0x13: {  	[sflag:s21] =	ssyncset.done @p0 $0x0  }
0x14: {  	s22 =	simm.s32 @p0 $0x3800;
	[sflag:s21] =	ssyncadd.s32 @p0 $0xFFFFE800  }
0x15: {  	[tilespmem:s22], [sflag:$0x2] =	stream.linear.gather @p0 [hbm4b:s6+s20], $0x1800, $0x38;
	[tilespmem:$0x1F000] =	vst v63  }
0x16: {  	_ =	swait.ge @p0 [sflag:s21], $0x1800  }
0x17: {  	[sflag:s21] =	ssyncset.done @p0 $0x0  }
0x18: {  	s22 =	simm.s32 @!p0 $0x2;
	[sflag:s21] =	ssyncadd.s32 @p0 $0xFFFFE800;
	s21 =	simm.s32 @!p0 $0x0  }
0x19: {  	[tilespmem:s21], [sflag:$0x2] =	stream.linear.gather @!p0 [hbm4b:s7+s21], $0x3700, $0x38;
	[tilespmem:$0x1F000] =	vst v63  }
0x1a: {  	_ =	swait.ge @!p0 [sflag:s22], $0x3700  }
0x1b: {  	[sflag:s22] =	ssyncset.done @!p0 $0x0  }
0x1c: {  	s20 =	simm.s32 @!p0 $0x3800;
	[sflag:s22] =	ssyncadd.s32 @!p0 $0xFFFFC900  }
0x1d: {  	[tilespmem:s20], [sflag:$0x2] =	stream.linear.gather @!p0 [hbm4b:s8+s21], $0x3700, $0x38;
	[tilespmem:$0x1F000] =	vst v63  }
0x1e: {  	_ =	swait.ge @!p0 [sflag:s22], $0x3700  }
0x1f: {  	s20 =	simm.s32 @!p0 $0x6E;
	[sflag:s22] =	ssyncset.done @!p0 $0x0  }
0x20: {  	s21 =	simm.s32 @p0 $0x0;
	s20 =	simm.s32 @p0 $0x30;
	[sflag:s22] =	ssyncadd.s32 @!p0 $0xFFFFC900  }
.LBB2_2:
0x21: {  	s22 =	sshra.s32 s21, $0x2  }
0x22: {  	[tilespmem:s22+$0x7000] =	vst v0  }
0x23: {  	[tilespmem:s22+$0x7010] =	vst v0  }
0x24: {  	p1 =	seq.s32 s21, $0xFE00;
	[tilespmem:s22+$0x7020] =	vst v0  }
.Ltmp0:
0x25: {  	[tilespmem:s22+$0x7030] =	vst v0;
	(pc) =	sbr.rel @!p1 .LBB2_2-.Ltmp0, $4  }
0x26: {  	[tilespmem:s22+$0x7040] =	vst v0  }
0x27: {  	[tilespmem:s22+$0x7050] =	vst v0  }
0x28: {  	[tilespmem:s22+$0x7060] =	vst v0  }
0x29: {  	s21 =	sadd.s32 $0x200, s21;
	[tilespmem:s22+$0x7070] =	vst v0  }
0x2a: {  	[spmem:s9] =	stream.linear.scatter [tilespmem:s15], [sflag:$0x2], $0x4000, $0x38;
	[tilespmem:$0x1F000] =	vst v63  }
0x2b: {  	_ =	swait.ge [sflag:s16], $0x4000  }
0x2c: {  	[sflag:s16] =	ssyncset.done $0x0  }
0x2d: {  	[sflag:s16] =	ssyncadd.s32 $0xFFFFC000  }
0x2e: {  	[spmem:s11] =	stream.linear.scatter [tilespmem:s15], [sflag:$0x2], $0x4000, $0x38;
	[tilespmem:$0x1F000] =	vst v63  }
0x2f: {  	_ =	swait.ge [sflag:s16], $0x4000  }
0x30: {  	[sflag:s16] =	ssyncset.done $0x0  }
0x31: {  	[sflag:s16] =	ssyncadd.s32 $0xFFFFC000  }
0x32: {  	[spmem:s12] =	stream.linear.scatter [tilespmem:s15], [sflag:$0x2], $0x4000, $0x38;
	[tilespmem:$0x1F000] =	vst v63  }
0x33: {  	_ =	swait.ge [sflag:s16], $0x4000  }
0x34: {  	[sflag:s16] =	ssyncset.done $0x0  }
0x35: {  	[sflag:s16] =	ssyncadd.s32 $0xFFFFC000  }
0x36: {  	[spmem:s13] =	stream.linear.scatter [tilespmem:s15], [sflag:$0x2], $0x4000, $0x38;
	[tilespmem:$0x1F000] =	vst v63  }
0x37: {  	_ =	swait.ge [sflag:s16], $0x4000  }
0x38: {  	[sflag:s16] =	ssyncset.done $0x0  }
0x39: {  	[sflag:s16] =	ssyncadd.s32 $0xFFFFC000  }
0x3a: {  	[spmem:s14] =	stream.linear.scatter [tilespmem:s15], [sflag:$0x2], $0x4000, $0x38;
	[tilespmem:$0x1F000] =	vst v63  }
0x3b: {  	_ =	swait.ge [sflag:s16], $0x4000  }
0x3c: {  	[sflag:s16] =	ssyncset.done $0x0  }
0x3d: {  	[sflag:s16] =	ssyncadd.s32 $0xFFFFC000  }
0x3e: {  	s21 =	simm.s32 $0x0;
	[bflag:$0x0] =	sbarrier.arrive $0xFFFF  }
0x3f: {  	[tilespmem:s15], [sflag:$0x1] =	stream.indirect.gather [hbm4b:s1+s17], $0x80, s21, s17, $0xb8;
	[tilespmem:$0x1F000] =	vst v63  }
0x40: {  	p1 =	sne.s32 s20, $0x1;
	_ =	swait.ge [sflag:s18], $0x4000  }
.Ltmp1:
0x41: {  	[sflag:s18] =	ssyncset.done $0x0;
	(pc) =	sbr.rel @!p1 .LBB2_5-.Ltmp1, $4  }
0x42: {  	s22 =	simm.s32 $0x3800;
	[sflag:s18] =	ssyncadd.s32 $0xFFFFC000  }
0x43: {  	[spmem:s3] =	stream.indirect.scatter.add.f32 [tilespmem:s15], [sflag:$0x2], $0x80, s22, s17, $0xb8;
	[tilespmem:$0x1F000] =	vst v63  }
0x44: {  	_ =	swait.ge [sflag:s16], $0x4000  }
0x45: {  	s20 =	sadd.s32 $0xFFFFFFFF, s20;
	[sflag:s16] =	ssyncset.done $0x0  }
.LBB2_4:
0x46: {  	[sflag:s16] =	ssyncadd.s32 $0xFFFFC000;
	s21 =	sadd.s32 $0x80, s21;
	s22 =	sadd.s32 $0x80, s22  }
0x47: {  	[tilespmem:s15], [sflag:$0x1] =	stream.indirect.gather [hbm4b:s1+s17], $0x80, s21, s17, $0xb8;
	[tilespmem:$0x1F000] =	vst v63  }
0x48: {  	p1 =	sne.s32 s20, $0x1;
	s20 =	sadd.s32 $0xFFFFFFFF, s20;
	_ =	swait.ge [sflag:s18], $0x4000  }
.Ltmp2:
0x49: {  	[sflag:s18] =	ssyncset.done $0x0;
	(pc) =	sbr.rel @p1 .LBB2_4-.Ltmp2, $4  }
0x4a: {  	[sflag:s18] =	ssyncadd.s32 $0xFFFFC000  }
0x4b: {  	[spmem:s3] =	stream.indirect.scatter.add.f32 [tilespmem:s15], [sflag:$0x2], $0x80, s22, s17, $0xb8;
	[tilespmem:$0x1F000] =	vst v63  }
0x4c: {  	_ =	swait.ge [sflag:s16], $0x4000  }
0x4d: {  	[sflag:s16] =	ssyncset.done $0x0  }
.LBB2_5:
0x4e: {  	[sflag:s16] =	ssyncadd.s32 $0xFFFFC000;
	s4 =	sadd.s32 $0x1, s4  }
0x4f: {  	s20 =	sshll.u32 s2, $0x6;
	s21 =	sshrl.u32 s9, $0x3;
	p1 =	sne.s32 s4, s10  }
.Ltmp3:
0x50: {  	[bflag:$0x0] =	sbarrier.arrive $0xFFFF;
	s20 =	sor.u32 $0x1C02, s20;
	(pc) =	sbr.rel @p1 .LBB2_1-.Ltmp3, $4  }
0x51: {  	[hbm:s19], [sflag:s20] =	dma.local [spmem:s21], $0x2800  }
0x52: {  	_ =	swait.ge [sflag:s16], $0x2800  }
0x53: {  	[sflag:s16] =	ssyncset.done $0x0  }
0x54: {  	[sflag:s16] =	ssyncadd.s32 $0xFFFFD800  }
0x55: {  	_ =	sfence.sel $0x180000  }
0x56: {  	[bflag:$0x0] =	sbarrier.arrive $0xFFFF  }
0x57: {  	p0 =	sne.s32 s2, $0x0;
	_ =	strace $0x90000047  }
0x58: {  	s0 =	sadd.s32 @!p0 $0x100000, s0;
	[bflag:$0x2] =	sbarrier.arrive $0xFFFF  }
0x59: {  	[sflag:s0] =	ssyncadd.tile.s32 @!p0 $0x1;
	_ =	shalt  }
.Lfunc_end2:
_tile_overlayer_lowered:
.L_overlay_start_2:
0x5a: {  	(tag) =	ssettag $0x2  }
0x5b: {  	s0 =	rddreg [dreg:$0x0];
	s2 =	stileid.u32  }
0x5c: {  	s1 =	rddreg [dreg:$0x1];
	p0 =	sne.s32 s2, $0x0  }
0x5d: {  	s3 =	rddreg [dreg:$0x2];
	[bflag:$0x3] =	sbarrier.arrive $0xFFFF;
	s2 =	simm.s32 @!p0 $0x1C02  }
0x5e: {  	[timem:s3], [sflag:s2] =	dma.local @!p0 [hbm:s0], s1  }
0x5f: {  	s0 =	simm.s32 @!p0 $0x2  }
0x60: {  	_ =	swait.ge @!p0 [sflag:s0], s1  }
0x61: {  	s1 =	ssub.s32 @!p0 $0x0, s1;
	[sflag:s0] =	ssyncset.done @!p0 $0x0  }
0x62: {  	[sflag:s0] =	ssyncadd.s32 @!p0 s1  }
0x63: {  	[bflag:$0x3] =	sbarrier.arrive $0xFFFF  }
0x64: {  	_ =	shalt  }

// kernel: kernel.9.cloned.1.call-start
scs
__scs_entry_jumppad:
0x0: {  	(pc) =	sbr.rel $0x88, $3  }
0x1: {  	(tag) =	ssettag $0x0;
	lr =	simm.s32 $0x1  }
0x2: {  	[smem:$0x3F99] =	sst lr;
	_ =	strace $0xD0000000  }
0x3: {  	_ = 	snop  }
0x4: {  	_ = 	snop  }
0x5: {  	_ = 	snop  }
0x6: {  	_ = 	snop  }
0x7: {  	_ = 	snop  }
__scs_overlays_trampoline_lowered:
0x8: {  	[smem:$0x3FA8] =	sst s0  }
0x9: {  	[smem:$0x3FA9] =	sst s1  }
0xa: {  	[smem:$0x3FAA] =	sst s2  }
0xb: {  	[smem:$0x3FAB] =	sst s3  }
0xc: {  	[smem:$0x3FAC] =	sst s4  }
0xd: {  	[smem:$0x3FAD] =	sst s5  }
0xe: {  	[smem:$0x3FAE] =	sst s6  }
0xf: {  	[smem:$0x3FAF] =	sst s7  }
0x10: {  	[smem:$0x3FB0] =	sst s8  }
0x11: {  	[smem:$0x3FB1] =	sst s9;
	s0 =	simm.s32 @!p0 $0x0  }
0x12: {  	s1 =	sld [smem:$0x3F97];
	s0 =	simm.s32 @p0 $0x1  }
0x13: {  	[smem:$0x3FB2] =	sst s0;
	s0 =	simm.s32 @!p1 $0x0  }
0x14: {  	s2 =	sld [smem:$0x3F96];
	s0 =	simm.s32 @p1 $0x1  }
0x15: {  	[smem:$0x3FB3] =	sst s0;
	s0 =	simm.s32 @!p2 $0x0  }
0x16: {  	s3 =	sld [smem:$0x3FDB];
	s0 =	simm.s32 @p2 $0x1  }
0x17: {  	s4 =	simm.s32 $0x1BF5;
	[smem:$0x3FB5] =	sst s0  }
0x18: {  	s0 =	sld [smem:$0x3F98];
	_ =	swait.ge [sflag:s4], $0x0  }
0x19: {  	s7 =	sld [smem:$0x3F99]  }
0x1a: {  	s8 =	sadd.s32 $0xFFFFE003, lr  }
0x1b: {  	s9 =	sadd.s32 $0xFFFFFEF7, lr;
	s5 =	simm.s32 $0xFFFFFFFF;
	p2 =	slt.u32 s8, $0xFFFFF086  }
0x1c: {  	p1 =	slt.u32 s9, $0xF7A;
	s5 =	simm.s32 @!p2 $0x0  }
0x1d: {  	s5 =	simm.s32 @p1 $0x1;
	p0 =	seq.s32 s7, s2  }
0x1e: {  	s7 =	smul.u32 @!p0 $0xF7A, s2;
	p2 =	seq.s32 @!p0 s5, $0x0  }
0x1f: {  	s9 =	smul.u32 $0xF7A, s1;
	s8 =	simm.s32 @!p0 $0x1BF5;
	p2 =	por !p2, p0  }
0x20: {  	[sflag:s8] =	ssyncset.s32 @!p0 $0xFFFFF086;
	s6 =	sadd.s32 @!p0 s3, s7;
	s7 =	simm.s32 @!p0 $0x108  }
0x21: {  	s3 =	sadd.s32 s3, s9;
	s6 =	sadd.s32 @!p0 $0x88, s6;
	s7 =	simm.s32 @p2 $0x1082  }
0x22: {  	[simem:s7], [sflag:s8] =	dma.local @!p0 [hbm:s6], $0xF7A  }
0x23: {  	s9 =	sor.u32 $0xD0000000, s2;
	s6 =	simm.s32 $0x108;
	_ =	swait.ge @!p0 [sflag:s8], $0x0  }
0x24: {  	s3 =	sadd.s32 $0x88, s3;
	s6 =	simm.s32 @!p1 $0x1082;
	[sflag:s4] =	ssyncset.s32 $0xFFFFF086  }
0x25: {  	[simem:s6], [sflag:s4] =	dma.local [hbm:s3], $0xF7A  }
0x26: {  	[smem:$0x3F99] =	sst s1;
	(tag) =	ssettag s2;
	_ =	strace s9  }
0x27: {  	s1 =	sld [smem:$0x3FA9]  }
0x28: {  	s2 =	sld [smem:$0x3FAA]  }
0x29: {  	s4 =	sld [smem:$0x3FAC]  }
0x2a: {  	p0 =	seq.s32 s5, $0x0;
	s5 =	sld [smem:$0x3FAD]  }
0x2b: {  	s6 =	sld [smem:$0x3FAE]  }
0x2c: {  	s7 =	sld [smem:$0x3FAF]  }
0x2d: {  	s3 =	simm.s32 $0x108;
	s8 =	sld [smem:$0x3FB0]  }
0x2e: {  	s3 =	simm.s32 @!p0 $0x1082;
	s9 =	sld [smem:$0x3FB1]  }
0x2f: {  	lr =	sadd.s32 s0, s3;
	s0 =	sld [smem:$0x3FA8]  }
0x30: {  	s3 =	sld [smem:$0x3FAB]  }
0x31: {  	[smem:$0x3FB4] =	sst s10  }
0x32: {  	s10 =	sld [smem:$0x3FB2];
	_ =	sdelay $0x3  }
0x33: {  	p0 =	seq.s32 s10, $0x1;
	s10 =	sld [smem:$0x3FB4];
	_ =	sdelay $0x3  }
0x34: {  	[smem:$0x3FB4] =	sst s10  }
0x35: {  	s10 =	sld [smem:$0x3FB3];
	_ =	sdelay $0x3  }
0x36: {  	p1 =	seq.s32 s10, $0x1;
	s10 =	sld [smem:$0x3FB4];
	_ =	sdelay $0x3  }
0x37: {  	[smem:$0x3FB4] =	sst s10  }
0x38: {  	s10 =	sld [smem:$0x3FB5]  }
0x39: {  	_ = 	snop;
	(pc) =	sbr.ind lr, $3  }
0x3a: {  	_ = 	snop  }
0x3b: {  	_ = 	snop  }
0x3c: {  	p2 =	seq.s32 s10, $0x1;
	s10 =	sld [smem:$0x3FB4]  }
0x3d: {  	_ =	shalt  }
0x3e: {  	_ =	shalt  }
0x3f: {  	_ =	shalt  }
0x40: {  	_ =	shalt  }
0x41: {  	_ =	shalt  }
0x42: {  	_ =	shalt  }
0x43: {  	_ =	shalt  }
0x44: {  	_ =	shalt  }
0x45: {  	_ =	shalt  }
0x46: {  	_ =	shalt  }
0x47: {  	_ =	shalt  }
0x48: {  	_ =	shalt  }
0x49: {  	_ =	shalt  }
0x4a: {  	_ =	shalt  }
0x4b: {  	_ =	shalt  }
0x4c: {  	_ =	shalt  }
0x4d: {  	_ =	shalt  }
0x4e: {  	_ =	shalt  }
0x4f: {  	_ =	shalt  }
0x50: {  	_ =	shalt  }
0x51: {  	_ =	shalt  }
0x52: {  	_ =	shalt  }
0x53: {  	_ =	shalt  }
0x54: {  	_ =	shalt  }
0x55: {  	_ =	shalt  }
0x56: {  	_ =	shalt  }
0x57: {  	_ =	shalt  }
0x58: {  	_ =	shalt  }
0x59: {  	_ =	shalt  }
0x5a: {  	_ =	shalt  }
0x5b: {  	_ =	shalt  }
0x5c: {  	_ =	shalt  }
0x5d: {  	_ =	shalt  }
0x5e: {  	_ =	shalt  }
0x5f: {  	_ =	shalt  }
0x60: {  	_ =	shalt  }
0x61: {  	_ =	shalt  }
0x62: {  	_ =	shalt  }
0x63: {  	_ =	shalt  }
0x64: {  	_ =	shalt  }
0x65: {  	_ =	shalt  }
0x66: {  	_ =	shalt  }
0x67: {  	_ =	shalt  }
0x68: {  	_ =	shalt  }
0x69: {  	_ =	shalt  }
0x6a: {  	_ =	shalt  }
0x6b: {  	_ =	shalt  }
0x6c: {  	_ =	shalt  }
0x6d: {  	_ =	shalt  }
0x6e: {  	_ =	shalt  }
0x6f: {  	_ =	shalt  }
0x70: {  	_ =	shalt  }
0x71: {  	_ =	shalt  }
0x72: {  	_ =	shalt  }
0x73: {  	_ =	shalt  }
0x74: {  	_ =	shalt  }
0x75: {  	_ =	shalt  }
0x76: {  	_ =	shalt  }
0x77: {  	_ =	shalt  }
0x78: {  	_ =	shalt  }
0x79: {  	_ =	shalt  }
0x7a: {  	_ =	shalt  }
0x7b: {  	_ =	shalt  }
0x7c: {  	_ =	shalt  }
0x7d: {  	_ =	shalt  }
0x7e: {  	_ =	shalt  }
0x7f: {  	_ =	shalt  }
0x80: {  	_ =	shalt  }
0x81: {  	_ =	shalt  }
0x82: {  	_ =	shalt  }
0x83: {  	_ =	shalt  }
0x84: {  	_ =	shalt  }
0x85: {  	_ =	shalt  }
0x86: {  	_ =	shalt  }
0x87: {  	_ =	shalt  }
.Lfunc_end0:
.L_simem_size_0:
called_computation.1_lowered:
.L_overlay_start_0:
0x88: {  	s2 =	sld [smem:$0x3FD9]  }
0x89: {  	s3 =	sld [smem:$0x3FFE];
	_ =	sdelay $0x1  }
0x8a: {  	s1 =	srdreg.scid  }
0x8b: {  	s0 =	sand.u32 $0x1, s1  }
0x8c: {  	s17 =	sshll.u32 s0, $0xA;
	s2 =	sadd.s32 s3, s2  }
0x8d: {  	s2 =	sadd.s32 s2, s17  }
0x8e: {  	[smem:$0x3FC0] =	sst s2  }
0x8f: {  	_ = 	snop  }
0x90: {  	s2 =	sld [smem:$0x3FD0];
	(tm) =	ssettm $0x1  }
0x91: {  	s18 =	sld [smem:$0x3FFB];
	_ =	sdelay $0x3  }
0x92: {  	_ =	strace s18  }
0x93: {  	s3 =	sld [smem:$0x3FFC];
	_ =	sdelay $0x3  }
0x94: {  	_ =	strace s3  }
0x95: {  	s3 =	sld [smem:$0x3FFD];
	_ =	sdelay $0x3  }
0x96: {  	_ =	strace s3  }
0x97: {  	_ =	strace $0x8FFFFFFF  }
0x98: {  	s19 =	sld [smem:$0x3FDB];
	_ =	sdelay $0x1  }
0x99: {  	s4 =	simm.s32 $_scs_section_size  }
0x9a: {  	s5 =	simm.s32 $_size__tile_overlayer_lowered;
	s6 =	simm.s32 $_tile_overlayer_lowered  }
0x9b: {  	s22 =	simm.s32 $0x1BFF;
	s21 =	sshll.u32 s6, $0x1;
	s3 =	sadd.s32 s4, s19  }
0x9c: {  	s7 =	simm.s32 $0x0;
	s20 =	sshll.u32 s5, $0x1;
	s5 =	sadd.s32 s21, s3  }
0x9d: {  	[timem:s7], [sflag:s22] =	dma.local [hbm:s5], s20  }
0x9e: {  	_ =	swait.ge [sflag:s22], s20  }
0x9f: {  	s4 =	ssub.s32 $0x0, s20;
	[sflag:s22] =	ssyncset.done $0x0  }
0xa0: {  	[sflag:s22] =	ssyncadd.s32 s4;
	_ =	sdelay $0x1  }
0xa1: {  	s23 =	simm.s32 $0x1B8B  }
0xa2: {  	_ =	swait.ge [sflag:s23], $0x1  }
0xa3: {  	[sflag:s23] =	ssyncset.done $0x0  }
0xa4: {  	s25 =	simm.s32 $0x1B8E;
	s24 =	sld [smem:$0x3FFE];
	[sflag:s23] =	ssyncadd.s32 $0xFFFFFFFF  }
0xa5: {  	s26 =	simm.s32 $execute0_lowered;
	[smem:$0x3FD2] =	sst s25  }
0xa6: {  	s5 =	sshll.u32 s26, $0x1;
	_ =	strace $0x80000049;
	[dreg:$0x1] =	wrdreg $0xFFFFFFFF  }
0xa7: {  	s28 =	simm.s32 $_size_execute0_lowered;
	s3 =	sadd.s32 s3, s5;
	[dreg:$0x0] =	wrdreg $0x0  }
0xa8: {  	s5 =	sshll.u32 s28, $0x1;
	[dreg:$0x2] =	wrdreg s3  }
0xa9: {  	[dreg:$0x3] =	wrdreg s5  }
0xaa: {  	[dreg:$0x4] =	wrdreg $0xC0  }
0xab: {  	_ =	task [dreg:s7], $0x5FFFF  }
0xac: {  	[dreg:$0x1] =	wrdreg $0xFFFFFFFF  }
0xad: {  	[dreg:$0x0] =	wrdreg $0x60  }
0xae: {  	[dreg:$0x2] =	wrdreg s2  }
0xaf: {  	[dreg:$0x3] =	wrdreg s24  }
0xb0: {  	[dreg:$0x4] =	wrdreg $0xB0000  }
0xb1: {  	[dreg:$0x5] =	wrdreg $0x9  }
0xb2: {  	_ =	task.clear_ibuf [dreg:s7], $0x6FFFF;
	_ =	strace $0x90000049  }
0xb3: {  	s29 =	simm.s32 $0x9;
	_ =	strace $0x8000004B  }
0xb4: {  	_ =	swait.ge [sflag:s29], $0x1  }
0xb5: {  	[sflag:s29] =	ssyncadd.s32 $0xFFFFFFFF  }
0xb6: {  	_ =	strace $0x9000004B  }
0xb7: {  	_ =	sfence  }
0xb8: {  	s30 =	sld [smem:$0x0];
	_ =	sdelay $0x2  }
0xb9: {  	s31 =	sshll.u32 s1, $0xD;
	s1 =	sshrl.u32 s1, $0x2  }
0xba: {  	s3 =	sand.u32 $0x4000, s31;
	s1 =	sadd.s32 s1, s30  }
0xbb: {  	s0 =	sor.u32 s3, s0;
	s1 =	sshll.u32 s1, $0x11  }
0xbc: {  	s0 =	sor.u32 s1, s0  }
0xbd: {  	s0 =	sadd.s32 $0x8F2B, s0  }
0xbe: {  	[sflag:s0] =	ssyncadd.remote.s32 $0x1  }
0xbf: {  	_ =	sfence.sel $0xFFFF  }
0xc0: {  	[dreg:$0x0] =	wrdreg $0xFFFFFFFF;
	(pc) =	sbr.abs _section_cstart, $3  }
0xc1: {  	[dreg:$0x1] =	wrdreg $0xFFFFFFFF  }
0xc2: {  	_ =	task.clear_ibuf [dreg:s7], $0x2FFFF;
	_ =	strace $0x9FFFFFFF  }
0xc3: {  	(tm) =	ssettm $0x7FFFFFFF  }
tec
execute0_lowered:
.L_overlay_start_1:
0x0: {  	(tag) =	ssettag $0x1  }
0x1: {  	s1 =	rddreg [dreg:$0x0]  }
0x2: {  	s5 =	rddreg [dreg:$0x1]  }
0x3: {  	s3 =	rddreg [dreg:$0x2];
	s2 =	stileid.u32  }
0x4: {  	s0 =	rddreg [dreg:$0x3];
	s6 =	smul.u32 $0x700, s2  }
0x5: {  	s4 =	simm.s32 $0x0;
	s7 =	srdreg.scid;
	s8 =	smul.u32 $0x300, s2  }
0x6: {  	s16 =	simm.s32 $0x2;
	s17 =	simm.s32 $0x80;
	s11 =	smul.u32 $0x50000, s2  }
0x7: {  	[smem:$0x7FF] =	sst s4;
	s15 =	sand.u32 $0x1, s7;
	s20 =	smul.u32 $0x2800, s2  }
0x8: {  	s18 =	simm.s32 $0x1;
	_ =	strace $0x8000004A;
	s31 =	smul.u32 $0x28000, s15  }
0x9: {  	s7 =	ssub.s32 $0x2, s15;
	p0 =	sne.s32 s15, $0x0;
	s15 =	simm.s32 $0x7000  }
0xa: {  	s9 =	sadd.s32 s6, s5;
	s8 =	sadd.s32 s8, s5;
	s10 =	sshrl.u32 s7, $0x1  }
0xb: {  	s11 =	sshrl.u32 s11, $0x2;
	s12 =	sadd.s32 s31, s5;
	s10 =	ssub.s32 s7, s10  }
0xc: {  	s5 =	sadd.s32 $0x12600, s8;
	s6 =	sadd.s32 $0xF600, s8;
	s7 =	sadd.s32 $0x8600, s9  }
0xd: {  	s8 =	sadd.s32 $0x1600, s9;
	s9 =	sadd.s32 s11, s3;
	s19 =	sadd.s32 $0x15600, s12  }
0xe: {  	s10 =	smax.u32 s10, $0x1;
	s11 =	sadd.s32 $0x4000, s9;
	s12 =	sadd.s32 $0x8000, s9  }
0xf: {  	v0 =	vimm.f32 $0.0e+00;
	s13 =	sadd.s32 $0xC000, s9;
	s14 =	sadd.s32 $0x10000, s9;
	s19 =	sadd.s32 s20, s19  }
.LBB2_1:
0x10: {  	s20 =	simm.s32 @p0 $0x0;
	s21 =	simm.s32 @p0 $0x2  }
0x11: {  	[tilespmem:s20], [sflag:$0x2] =	stream.linear.gather @p0 [hbm4b:s5+s20], $0x1800, $0x38;
	[tilespmem:$0x1F000] =	vst v63  }
0x12: {  	_ =	swait.ge @p0 [sflag:s21], $0x1800  }
0x13: {  	[sflag:s21] =	ssyncset.done @p0 $0x0  }
0x14: {  	s22 =	simm.s32 @p0 $0x3800;
	[sflag:s21] =	ssyncadd.s32 @p0 $0xFFFFE800  }
0x15: {  	[tilespmem:s22], [sflag:$0x2] =	stream.linear.gather @p0 [hbm4b:s6+s20], $0x1800, $0x38;
	[tilespmem:$0x1F000] =	vst v63  }
0x16: {  	_ =	swait.ge @p0 [sflag:s21], $0x1800  }
0x17: {  	[sflag:s21] =	ssyncset.done @p0 $0x0  }
0x18: {  	s22 =	simm.s32 @!p0 $0x2;
	[sflag:s21] =	ssyncadd.s32 @p0 $0xFFFFE800;
	s21 =	simm.s32 @!p0 $0x0  }
0x19: {  	[tilespmem:s21], [sflag:$0x2] =	stream.linear.gather @!p0 [hbm4b:s7+s21], $0x3700, $0x38;
	[tilespmem:$0x1F000] =	vst v63  }
0x1a: {  	_ =	swait.ge @!p0 [sflag:s22], $0x3700  }
0x1b: {  	[sflag:s22] =	ssyncset.done @!p0 $0x0  }
0x1c: {  	s20 =	simm.s32 @!p0 $0x3800;
	[sflag:s22] =	ssyncadd.s32 @!p0 $0xFFFFC900  }
0x1d: {  	[tilespmem:s20], [sflag:$0x2] =	stream.linear.gather @!p0 [hbm4b:s8+s21], $0x3700, $0x38;
	[tilespmem:$0x1F000] =	vst v63  }
0x1e: {  	_ =	swait.ge @!p0 [sflag:s22], $0x3700  }
0x1f: {  	s20 =	simm.s32 @!p0 $0x6E;
	[sflag:s22] =	ssyncset.done @!p0 $0x0  }
0x20: {  	s21 =	simm.s32 @p0 $0x0;
	s20 =	simm.s32 @p0 $0x30;
	[sflag:s22] =	ssyncadd.s32 @!p0 $0xFFFFC900  }
.LBB2_2:
0x21: {  	s22 =	sshra.s32 s21, $0x2  }
0x22: {  	[tilespmem:s22+$0x7000] =	vst v0  }
0x23: {  	[tilespmem:s22+$0x7010] =	vst v0  }
0x24: {  	p1 =	seq.s32 s21, $0xFE00;
	[tilespmem:s22+$0x7020] =	vst v0  }
.Ltmp0:
0x25: {  	[tilespmem:s22+$0x7030] =	vst v0;
	(pc) =	sbr.rel @!p1 .LBB2_2-.Ltmp0, $4  }
0x26: {  	[tilespmem:s22+$0x7040] =	vst v0  }
0x27: {  	[tilespmem:s22+$0x7050] =	vst v0  }
0x28: {  	[tilespmem:s22+$0x7060] =	vst v0  }
0x29: {  	s21 =	sadd.s32 $0x200, s21;
	[tilespmem:s22+$0x7070] =	vst v0  }
0x2a: {  	[spmem:s9] =	stream.linear.scatter [tilespmem:s15], [sflag:$0x2], $0x4000, $0x38;
	[tilespmem:$0x1F000] =	vst v63  }
0x2b: {  	_ =	swait.ge [sflag:s16], $0x4000  }
0x2c: {  	[sflag:s16] =	ssyncset.done $0x0  }
0x2d: {  	[sflag:s16] =	ssyncadd.s32 $0xFFFFC000  }
0x2e: {  	[spmem:s11] =	stream.linear.scatter [tilespmem:s15], [sflag:$0x2], $0x4000, $0x38;
	[tilespmem:$0x1F000] =	vst v63  }
0x2f: {  	_ =	swait.ge [sflag:s16], $0x4000  }
0x30: {  	[sflag:s16] =	ssyncset.done $0x0  }
0x31: {  	[sflag:s16] =	ssyncadd.s32 $0xFFFFC000  }
0x32: {  	[spmem:s12] =	stream.linear.scatter [tilespmem:s15], [sflag:$0x2], $0x4000, $0x38;
	[tilespmem:$0x1F000] =	vst v63  }
0x33: {  	_ =	swait.ge [sflag:s16], $0x4000  }
0x34: {  	[sflag:s16] =	ssyncset.done $0x0  }
0x35: {  	[sflag:s16] =	ssyncadd.s32 $0xFFFFC000  }
0x36: {  	[spmem:s13] =	stream.linear.scatter [tilespmem:s15], [sflag:$0x2], $0x4000, $0x38;
	[tilespmem:$0x1F000] =	vst v63  }
0x37: {  	_ =	swait.ge [sflag:s16], $0x4000  }
0x38: {  	[sflag:s16] =	ssyncset.done $0x0  }
0x39: {  	[sflag:s16] =	ssyncadd.s32 $0xFFFFC000  }
0x3a: {  	[spmem:s14] =	stream.linear.scatter [tilespmem:s15], [sflag:$0x2], $0x4000, $0x38;
	[tilespmem:$0x1F000] =	vst v63  }
0x3b: {  	_ =	swait.ge [sflag:s16], $0x4000  }
0x3c: {  	[sflag:s16] =	ssyncset.done $0x0  }
0x3d: {  	[sflag:s16] =	ssyncadd.s32 $0xFFFFC000  }
0x3e: {  	s21 =	simm.s32 $0x0;
	[bflag:$0x0] =	sbarrier.arrive $0xFFFF  }
0x3f: {  	[tilespmem:s15], [sflag:$0x1] =	stream.indirect.gather [hbm4b:s1+s17], $0x80, s21, s17, $0xb8;
	[tilespmem:$0x1F000] =	vst v63  }
0x40: {  	p1 =	sne.s32 s20, $0x1;
	_ =	swait.ge [sflag:s18], $0x4000  }
.Ltmp1:
0x41: {  	[sflag:s18] =	ssyncset.done $0x0;
	(pc) =	sbr.rel @!p1 .LBB2_5-.Ltmp1, $4  }
0x42: {  	s22 =	simm.s32 $0x3800;
	[sflag:s18] =	ssyncadd.s32 $0xFFFFC000  }
0x43: {  	[spmem:s3] =	stream.indirect.scatter.add.f32 [tilespmem:s15], [sflag:$0x2], $0x80, s22, s17, $0xb8;
	[tilespmem:$0x1F000] =	vst v63  }
0x44: {  	_ =	swait.ge [sflag:s16], $0x4000  }
0x45: {  	s20 =	sadd.s32 $0xFFFFFFFF, s20;
	[sflag:s16] =	ssyncset.done $0x0  }
.LBB2_4:
0x46: {  	[sflag:s16] =	ssyncadd.s32 $0xFFFFC000;
	s21 =	sadd.s32 $0x80, s21;
	s22 =	sadd.s32 $0x80, s22  }
0x47: {  	[tilespmem:s15], [sflag:$0x1] =	stream.indirect.gather [hbm4b:s1+s17], $0x80, s21, s17, $0xb8;
	[tilespmem:$0x1F000] =	vst v63  }
0x48: {  	p1 =	sne.s32 s20, $0x1;
	s20 =	sadd.s32 $0xFFFFFFFF, s20;
	_ =	swait.ge [sflag:s18], $0x4000  }
.Ltmp2:
0x49: {  	[sflag:s18] =	ssyncset.done $0x0;
	(pc) =	sbr.rel @p1 .LBB2_4-.Ltmp2, $4  }
0x4a: {  	[sflag:s18] =	ssyncadd.s32 $0xFFFFC000  }
0x4b: {  	[spmem:s3] =	stream.indirect.scatter.add.f32 [tilespmem:s15], [sflag:$0x2], $0x80, s22, s17, $0xb8;
	[tilespmem:$0x1F000] =	vst v63  }
0x4c: {  	_ =	swait.ge [sflag:s16], $0x4000  }
0x4d: {  	[sflag:s16] =	ssyncset.done $0x0  }
.LBB2_5:
0x4e: {  	[sflag:s16] =	ssyncadd.s32 $0xFFFFC000;
	s4 =	sadd.s32 $0x1, s4  }
0x4f: {  	s20 =	sshll.u32 s2, $0x6;
	s21 =	sshrl.u32 s9, $0x3;
	p1 =	sne.s32 s4, s10  }
.Ltmp3:
0x50: {  	[bflag:$0x0] =	sbarrier.arrive $0xFFFF;
	s20 =	sor.u32 $0x1C02, s20;
	(pc) =	sbr.rel @p1 .LBB2_1-.Ltmp3, $4  }
0x51: {  	[hbm:s19], [sflag:s20] =	dma.local [spmem:s21], $0x2800  }
0x52: {  	_ =	swait.ge [sflag:s16], $0x2800  }
0x53: {  	[sflag:s16] =	ssyncset.done $0x0  }
0x54: {  	[sflag:s16] =	ssyncadd.s32 $0xFFFFD800  }
0x55: {  	_ =	sfence.sel $0x180000  }
0x56: {  	[bflag:$0x0] =	sbarrier.arrive $0xFFFF  }
0x57: {  	p0 =	sne.s32 s2, $0x0;
	_ =	strace $0x9000004A  }
0x58: {  	s0 =	sadd.s32 @!p0 $0x100000, s0;
	[bflag:$0x2] =	sbarrier.arrive $0xFFFF  }
0x59: {  	[sflag:s0] =	ssyncadd.tile.s32 @!p0 $0x1;
	_ =	shalt  }
.Lfunc_end2:
_tile_overlayer_lowered:
.L_overlay_start_2:
0x5a: {  	(tag) =	ssettag $0x2  }
0x5b: {  	s0 =	rddreg [dreg:$0x0];
	s2 =	stileid.u32  }
0x5c: {  	s1 =	rddreg [dreg:$0x1];
	p0 =	sne.s32 s2, $0x0  }
0x5d: {  	s3 =	rddreg [dreg:$0x2];
	[bflag:$0x3] =	sbarrier.arrive $0xFFFF;
	s2 =	simm.s32 @!p0 $0x1C02  }
0x5e: {  	[timem:s3], [sflag:s2] =	dma.local @!p0 [hbm:s0], s1  }
0x5f: {  	s0 =	simm.s32 @!p0 $0x2  }
0x60: {  	_ =	swait.ge @!p0 [sflag:s0], s1  }
0x61: {  	s1 =	ssub.s32 @!p0 $0x0, s1;
	[sflag:s0] =	ssyncset.done @!p0 $0x0  }
0x62: {  	[sflag:s0] =	ssyncadd.s32 @!p0 s1  }
0x63: {  	[bflag:$0x3] =	sbarrier.arrive $0xFFFF  }
0x64: {  	_ =	shalt  }

</sc_bundles>
